<compile_context>
chip_gen: v7x
topology: tpu7x:2x2x1
jax: 0.10.2.dev20260603
libtpu: 0.0.44.dev20260713+nightly
codegen_flags: <defaults>
</compile_context>

<pallas_src>
import dataclasses
import functools

import jax
import jax.numpy as jnp
from jax import lax
from jax.experimental import pallas as pl
from jax.experimental.pallas import tpu as pltpu
from jax.experimental.pallas import tpu_sc as plsc

N = 10000
E = 160000
D = 256
H = D // 2
NC = 2
NS = 16
NP_ = 10240
STRIPE = NP_ // NS
CH = 80
EPT = E // NS
SCH = 25
STG = EPT // (SCH * CH)
NW = NC * NS
DPT = 5008
MB = 1024


def _sc_mesh():
    return plsc.VectorSubcoreMesh(
        core_axis_name="c", subcore_axis_name="s", num_cores=NC, num_subcores=NS
    )


def _sc_params():
    cp = pltpu.CompilerParams()
    if "needs_layout_passes" in pltpu.CompilerParams.__dataclass_fields__:
        cp = dataclasses.replace(cp, needs_layout_passes=False)
    return cp


@functools.partial(
    pl.kernel,
    out_type=jax.ShapeDtypeStruct((NC, NP_, H), jnp.float32),
    mesh=_sc_mesh(),
    scratch_types=[
        pltpu.VMEM((SCH, CH), jnp.int32),
        pltpu.VMEM((SCH, CH), jnp.int32),
        pltpu.VMEM((CH, H), jnp.float32),
        pltpu.VMEM((CH, H), jnp.float32),
        pltpu.VMEM_SHARED((NP_, H), jnp.float32),
        pltpu.SemaphoreType.DMA,
        pltpu.SemaphoreType.DMA,
        pltpu.SemaphoreType.DMA,
        pltpu.SemaphoreType.DMA,
    ],
    compiler_params=_sc_params(),
)
def _sc_agg(xl, srcr, dstr, zrow, agg, src_v, dst_v, rows_a, rows_b, acc_sh,
            gsem_a, gsem_b, ssem_a, ssem_b):
    c = lax.axis_index("c")
    s = lax.axis_index("s")
    pltpu.sync_copy(zrow, acc_sh.at[pl.ds(s * STRIPE, STRIPE)])
    plsc.subcore_barrier()

    def gdrain(rows, gsem):
        pltpu.make_async_copy(xl.at[c].at[src_v.at[0]], rows, gsem).wait()

    def sdrain(rows, ssem):
        pltpu.make_async_copy(xl.at[c].at[pl.ds(0, CH)], rows, ssem).wait()

    @pl.loop(0, STG)
    def _(t):
        pltpu.sync_copy(srcr.at[s].at[t], src_v)
        pltpu.sync_copy(dstr.at[s].at[t], dst_v)
        pltpu.async_copy(xl.at[c].at[src_v.at[0]], rows_a, gsem_a)
        gdrain(rows_a, gsem_a)
        pltpu.async_copy(rows_a, acc_sh.at[dst_v.at[0]], ssem_a, add=True)
        pltpu.async_copy(xl.at[c].at[src_v.at[1]], rows_b, gsem_b)

        @pl.loop(1, SCH - 3, step=2)
        def _(i):
            gdrain(rows_b, gsem_b)
            pltpu.async_copy(rows_b, acc_sh.at[dst_v.at[i]], ssem_b, add=True)
            sdrain(rows_a, ssem_a)
            pltpu.async_copy(xl.at[c].at[src_v.at[i + 1]], rows_a, gsem_a)
            gdrain(rows_a, gsem_a)
            pltpu.async_copy(rows_a, acc_sh.at[dst_v.at[i + 1]], ssem_a,
                             add=True)
            sdrain(rows_b, ssem_b)
            pltpu.async_copy(xl.at[c].at[src_v.at[i + 2]], rows_b, gsem_b)

        gdrain(rows_b, gsem_b)
        pltpu.async_copy(rows_b, acc_sh.at[dst_v.at[SCH - 2]], ssem_b,
                         add=True)
        sdrain(rows_a, ssem_a)
        pltpu.async_copy(xl.at[c].at[src_v.at[SCH - 1]], rows_a, gsem_a)
        gdrain(rows_a, gsem_a)
        pltpu.async_copy(rows_a, acc_sh.at[dst_v.at[SCH - 1]], ssem_a,
                         add=True)
        sdrain(rows_b, ssem_b)
        sdrain(rows_a, ssem_a)

    plsc.subcore_barrier()
    rows = pl.ds(s * STRIPE, STRIPE)
    pltpu.sync_copy(acc_sh.at[rows], agg.at[c].at[rows])


@functools.partial(
    pl.kernel,
    out_type=jax.ShapeDtypeStruct((NW, NP_), jnp.float32),
    mesh=_sc_mesh(),
    scratch_types=[
        pltpu.VMEM((DPT,), jnp.int32),
        pltpu.VMEM((NP_,), jnp.float32),
    ],
    compiler_params=_sc_params(),
)
def _sc_deg(dsth, deg, idxv, hist):
    c = lax.axis_index("c")
    s = lax.axis_index("s")
    w = s * NC + c
    pltpu.sync_copy(dsth.at[w], idxv)

    @pl.loop(0, NP_ // 16)
    def _(i):
        hist[pl.ds(16 * i, 16)] = jnp.zeros((16,), jnp.float32)

    @pl.loop(0, DPT // 16)
    def _(j):
        vec = idxv[pl.ds(16 * j, 16)]
        plsc.addupdate_scatter(hist, [vec], jnp.full((16,), 1.0, jnp.float32))

    pltpu.sync_copy(hist, deg.at[w])


def _mm_in(x, W_l, W_r, b):
    def tc_body(x_ref, wl_ref, wr_ref, b_ref, xl_ref, xr_ref):
        xb = x_ref[...]
        l = jnp.dot(xb, wl_ref[...], preferred_element_type=jnp.float32)
        xl_ref[0] = l[:, :H]
        xl_ref[1] = l[:, H:]
        xr_ref[...] = (
            jnp.dot(xb, wr_ref[...], preferred_element_type=jnp.float32)
            + b_ref[...]
        )

    return pl.pallas_call(
        tc_body,
        grid=(pl.cdiv(N, MB),),
        in_specs=[
            pl.BlockSpec((MB, D), lambda i: (i, 0)),
            pl.BlockSpec((D, D), lambda i: (0, 0)),
            pl.BlockSpec((D, D), lambda i: (0, 0)),
            pl.BlockSpec((1, D), lambda i: (0, 0)),
        ],
        out_specs=[
            pl.BlockSpec((NC, MB, H), lambda i: (0, i, 0)),
            pl.BlockSpec((MB, D), lambda i: (i, 0)),
        ],
        out_shape=[
            jax.ShapeDtypeStruct((NC, N, H), jnp.float32),
            jax.ShapeDtypeStruct((N, D), jnp.float32),
        ],
    )(x, W_l, W_r, b.reshape(1, D))


def _mm_mid(agg, deg, xr, W_l, W_r, b):
    def tc_body(agg_ref, deg_ref, xr_ref, wl_ref, wr_ref, b_ref,
                hl_ref, hr_ref):
        d = jnp.maximum(jnp.sum(deg_ref[...], axis=0), 1.0).reshape(MB, 1)
        mean = jnp.concatenate([agg_ref[0], agg_ref[1]], axis=1) / d
        h = jnp.maximum(mean + xr_ref[...], 0.0)
        l = jnp.dot(h, wl_ref[...], preferred_element_type=jnp.float32)
        hl_ref[0] = l[:, :H]
        hl_ref[1] = l[:, H:]
        hr_ref[...] = (
            jnp.dot(h, wr_ref[...], preferred_element_type=jnp.float32)
            + b_ref[...]
        )

    return pl.pallas_call(
        tc_body,
        grid=(pl.cdiv(N, MB),),
        in_specs=[
            pl.BlockSpec((NC, MB, H), lambda i: (0, i, 0)),
            pl.BlockSpec((NW, MB), lambda i: (0, i)),
            pl.BlockSpec((MB, D), lambda i: (i, 0)),
            pl.BlockSpec((D, D), lambda i: (0, 0)),
            pl.BlockSpec((D, D), lambda i: (0, 0)),
            pl.BlockSpec((1, D), lambda i: (0, 0)),
        ],
        out_specs=[
            pl.BlockSpec((NC, MB, H), lambda i: (0, i, 0)),
            pl.BlockSpec((MB, D), lambda i: (i, 0)),
        ],
        out_shape=[
            jax.ShapeDtypeStruct((NC, N, H), jnp.float32),
            jax.ShapeDtypeStruct((N, D), jnp.float32),
        ],
    )(agg, deg, xr, W_l, W_r, b.reshape(1, D))


def _mm_out(agg, deg, hr):
    def tc_body(agg_ref, deg_ref, hr_ref, o_ref):
        d = jnp.maximum(jnp.sum(deg_ref[...], axis=0), 1.0).reshape(MB, 1)
        mean = jnp.concatenate([agg_ref[0], agg_ref[1]], axis=1) / d
        o_ref[...] = mean + hr_ref[...]

    return pl.pallas_call(
        tc_body,
        grid=(pl.cdiv(N, MB),),
        in_specs=[
            pl.BlockSpec((NC, MB, H), lambda i: (0, i, 0)),
            pl.BlockSpec((NW, MB), lambda i: (0, i)),
            pl.BlockSpec((MB, D), lambda i: (i, 0)),
        ],
        out_specs=pl.BlockSpec((MB, D), lambda i: (i, 0)),
        out_shape=jax.ShapeDtypeStruct((N, D), jnp.float32),
    )(agg, deg, hr)


def kernel(x, edge_index, W1_l, W1_r, b1, W2_l, W2_r, b2):
    src = edge_index[0].astype(jnp.int32).reshape(NS, STG, SCH, CH)
    dst = edge_index[1].astype(jnp.int32).reshape(NS, STG, SCH, CH)
    dst_deg = jnp.concatenate(
        [edge_index[1].astype(jnp.int32),
         jnp.full((NW * DPT - E,), NP_ - 1, jnp.int32)]
    ).reshape(NW, DPT)
    zrow = jnp.zeros((STRIPE, H), jnp.float32)

    deg = _sc_deg(dst_deg)
    xl, xr1 = _mm_in(x, W1_l, W1_r, b1)
    agg1 = _sc_agg(xl, src, dst, zrow)
    hl, hr2 = _mm_mid(agg1, deg, xr1, W2_l, W2_r, b2)
    agg2 = _sc_agg(hl, src, dst, zrow)
    return _mm_out(agg2, deg, hr2)

# --- scband reference (transcript-rebuilt; emitter-appended) ---
"""Pipeline reference for scband-graph-sagemodel-39118562132485 (READ-ONLY COPY).

The authoritative reference and input builder live on the scoring server;
editing this copy changes nothing except your own understanding.
"""

import jax, jax.numpy as jnp
import numpy as np

N_NODES = 10000
N_EDGES = 160000
DIM_IN = 256
DIM_H = 256
DIM_OUT = 256


def setup_inputs(seed: int = 0) -> dict:
    key = jax.random.key(seed)
    ks = jax.random.split(key, 8)
    x = jax.random.normal(ks[0], (N_NODES, DIM_IN), dtype=jnp.float32)
    edge_index = jax.random.randint(ks[1], (2, N_EDGES), 0, N_NODES, dtype=jnp.int64)
    s1 = 1.0 / np.sqrt(DIM_IN)
    s2 = 1.0 / np.sqrt(DIM_H)
    W1_l = jax.random.uniform(ks[2], (DIM_IN, DIM_H), jnp.float32, -s1, s1)
    W1_r = jax.random.uniform(ks[3], (DIM_IN, DIM_H), jnp.float32, -s1, s1)
    b1 = jnp.zeros((DIM_H,), jnp.float32)
    W2_l = jax.random.uniform(ks[4], (DIM_H, DIM_OUT), jnp.float32, -s2, s2)
    W2_r = jax.random.uniform(ks[5], (DIM_H, DIM_OUT), jnp.float32, -s2, s2)
    b2 = jnp.zeros((DIM_OUT,), jnp.float32)
    return {"x": x, "edge_index": edge_index, "W1_l": W1_l, "W1_r": W1_r, "b1": b1,
            "W2_l": W2_l, "W2_r": W2_r, "b2": b2}


def _sage_conv(x, edge_index, W_l, W_r, b):
    # PyG SAGEConv with mean aggregation:
    #   out_i = W_l @ mean_{j in N(i)} x_j + W_r @ x_i + b
    src = edge_index[0]
    dst = edge_index[1]
    msgs = jnp.take(x, src, axis=0)
    agg = jax.ops.segment_sum(msgs, dst, num_segments=x.shape[0])
    deg = jax.ops.segment_sum(jnp.ones((edge_index.shape[1],), dtype=x.dtype), dst,
                              num_segments=x.shape[0])
    deg = jnp.clip(deg, 1.0, None)
    mean_agg = agg / deg[:, None]
    return mean_agg @ W_l + x @ W_r + b


def reference(x, edge_index, W1_l, W1_r, b1, W2_l, W2_r, b2):
    h = _sage_conv(x, edge_index, W1_l, W1_r, b1)
    h = jax.nn.relu(h)
    # dropout is identity in eval mode
    h = _sage_conv(h, edge_index, W2_l, W2_r, b2)
    return h

if __name__ == "__main__":
    import jax
    _d = setup_inputs()
    print(jax.jit(kernel)(*tuple(_d.values())))

</pallas_src>

<mosaic_0001>
#map = affine_map<(d0, d1) -> (0, 0, 0)>
#map1 = affine_map<(d0, d1) -> (0, 0, 0, 0)>
#map2 = affine_map<(d0, d1) -> (0, 0)>
module attributes {stable_mosaic.version = 14 : i64} {
  func.func @_sc_agg(%arg0: i32, %arg1: i32, %arg2: memref<2x10000x128xf32, #tpu.memory_space<hbm>>, %arg3: memref<16x5x25x80xi32, #tpu.memory_space<hbm>>, %arg4: memref<16x5x25x80xi32, #tpu.memory_space<hbm>>, %arg5: memref<640x128xf32, #tpu.memory_space<hbm>>, %arg6: memref<2x10240x128xf32, #tpu.memory_space<hbm>>, %arg7: memref<25x80xi32, #tpu.memory_space<vmem>>, %arg8: memref<25x80xi32, #tpu.memory_space<vmem>>, %arg9: memref<80x128xf32, #tpu.memory_space<vmem>>, %arg10: memref<80x128xf32, #tpu.memory_space<vmem>>, %arg11: memref<10240x128xf32, #tpu.memory_space<vmem_shared>>, %arg12: memref<!tpu.dma_semaphore, #tpu.memory_space<semaphore_mem>>, %arg13: memref<!tpu.dma_semaphore, #tpu.memory_space<semaphore_mem>>, %arg14: memref<!tpu.dma_semaphore, #tpu.memory_space<semaphore_mem>>, %arg15: memref<!tpu.dma_semaphore, #tpu.memory_space<semaphore_mem>>) attributes {dimension_semantics = [#tpu.dimension_semantics<core_parallel>, #tpu.dimension_semantics<subcore_parallel>], iteration_bounds = array<i64: 2, 16>, scalar_prefetch = 0 : i64, scratch_operands = 9 : i64, tpu.core_type = #tpu.core_type<sc_vector_subcore>, window_params = [{transform_indices = #map}, {transform_indices = #map1}, {transform_indices = #map1}, {transform_indices = #map2}, {transform_indices = #map}]} {
    %mul3A = arith.constant 640 : i32
    %mul3A_0 = arith.muli %arg1, %mul3A : i32
    "tpu.region"() ({
      %run_scoped3A = tpu.sem_alloc : memref<!tpu.dma_semaphore, #tpu.memory_space<semaphore_mem>>
      %dma_start3A = arith.constant 0 : i32
      %dma_start3A_8 = tpu.memref_slice %arg11[%mul3A_0, %dma_start3A] : memref<10240x128xf32, #tpu.memory_space<vmem_shared>> -> memref<640x128xf32, #tpu.memory_space<vmem_shared>>
      tpu.enqueue_dma source(%arg5 : memref<640x128xf32, #tpu.memory_space<hbm>>) target(%dma_start3A_8 : memref<640x128xf32, #tpu.memory_space<vmem_shared>>) target_semaphore(%run_scoped3A : memref<!tpu.dma_semaphore, #tpu.memory_space<semaphore_mem>>)
      %dma_wait3A = arith.constant 0 : i32
      %dma_wait3A_9 = tpu.memref_slice %arg11[%mul3A_0, %dma_wait3A] : memref<10240x128xf32, #tpu.memory_space<vmem_shared>> -> memref<640x128xf32, #tpu.memory_space<vmem_shared>>
      tpu.wait_dma2 semaphore(%run_scoped3A : memref<!tpu.dma_semaphore, #tpu.memory_space<semaphore_mem>>) src(%arg5 : memref<640x128xf32, #tpu.memory_space<hbm>>) dst(%dma_wait3A_9 : memref<640x128xf32, #tpu.memory_space<vmem_shared>>)
      tpu.yield
    }) : () -> ()
    %barrier3A = arith.constant 0 : index
    tpu.barrier barrier_id(%barrier3A)
    %scan3A = arith.constant 0 : i32
    %scan3A_1 = arith.constant 5 : i32
    %scan3A_2 = arith.addi %scan3A, %scan3A_1 : i32
    %scan3A_3 = arith.constant 1 : i32
    scf.for %scan3A_8 = %scan3A to %scan3A_2 step %scan3A_3  : i32 {
      %mul3A_9 = arith.constant 1 : i32
      %mul3A_10 = arith.muli %scan3A_8, %mul3A_9 : i32
      %add3A = arith.constant 0 : i32
      %add3A_11 = arith.addi %add3A, %mul3A_10 : i32
      "tpu.region"() ({
        %run_scoped3A = tpu.sem_alloc : memref<!tpu.dma_semaphore, #tpu.memory_space<semaphore_mem>>
        %dma_start3A_144 = arith.constant 0 : i32
        %dma_start3A_145 = arith.constant 0 : i32
        %dma_start3A_146 = arith.constant 0 : i32
        %dma_start3A_147 = tpu.memref_slice %arg3[%arg1, %dma_start3A_144, %dma_start3A_145, %dma_start3A_146] : memref<16x5x25x80xi32, #tpu.memory_space<hbm>> -> memref<1x5x25x80xi32, #tpu.memory_space<hbm>>
        %dma_start3A_148 = tpu.memref_squeeze %dma_start3A_147 : memref<1x5x25x80xi32, #tpu.memory_space<hbm>> -> memref<5x25x80xi32, #tpu.memory_space<hbm>>
        %dma_start3A_149 = arith.constant 0 : i32
        %dma_start3A_150 = arith.constant 0 : i32
        %dma_start3A_151 = tpu.memref_slice %dma_start3A_148[%add3A_11, %dma_start3A_149, %dma_start3A_150] : memref<5x25x80xi32, #tpu.memory_space<hbm>> -> memref<1x25x80xi32, #tpu.memory_space<hbm>>
        %dma_start3A_152 = tpu.memref_squeeze %dma_start3A_151 : memref<1x25x80xi32, #tpu.memory_space<hbm>> -> memref<25x80xi32, #tpu.memory_space<hbm>>
        %dma_start3A_153 = arith.constant 0 : i32
        %dma_start3A_154 = arith.constant 0 : i32
        %dma_start3A_155 = arith.constant 0 : i32
        %dma_start3A_156 = tpu.memref_slice %arg3[%arg1, %dma_start3A_153, %dma_start3A_154, %dma_start3A_155] : memref<16x5x25x80xi32, #tpu.memory_space<hbm>> -> memref<1x5x25x80xi32, #tpu.memory_space<hbm>>
        %dma_start3A_157 = tpu.memref_squeeze %dma_start3A_156 : memref<1x5x25x80xi32, #tpu.memory_space<hbm>> -> memref<5x25x80xi32, #tpu.memory_space<hbm>>
        %dma_start3A_158 = arith.constant 0 : i32
        %dma_start3A_159 = arith.constant 0 : i32
        %dma_start3A_160 = tpu.memref_slice %dma_start3A_157[%add3A_11, %dma_start3A_158, %dma_start3A_159] : memref<5x25x80xi32, #tpu.memory_space<hbm>> -> memref<1x25x80xi32, #tpu.memory_space<hbm>>
        %dma_start3A_161 = tpu.memref_squeeze %dma_start3A_160 : memref<1x25x80xi32, #tpu.memory_space<hbm>> -> memref<25x80xi32, #tpu.memory_space<hbm>>
        tpu.enqueue_dma source(%dma_start3A_161 : memref<25x80xi32, #tpu.memory_space<hbm>>) target(%arg7 : memref<25x80xi32, #tpu.memory_space<vmem>>) target_semaphore(%run_scoped3A : memref<!tpu.dma_semaphore, #tpu.memory_space<semaphore_mem>>)
        %dma_wait3A_162 = arith.constant 0 : i32
        %dma_wait3A_163 = arith.constant 0 : i32
        %dma_wait3A_164 = arith.constant 0 : i32
        %dma_wait3A_165 = tpu.memref_slice %arg3[%arg1, %dma_wait3A_162, %dma_wait3A_163, %dma_wait3A_164] : memref<16x5x25x80xi32, #tpu.memory_space<hbm>> -> memref<1x5x25x80xi32, #tpu.memory_space<hbm>>
        %dma_wait3A_166 = tpu.memref_squeeze %dma_wait3A_165 : memref<1x5x25x80xi32, #tpu.memory_space<hbm>> -> memref<5x25x80xi32, #tpu.memory_space<hbm>>
        %dma_wait3A_167 = arith.constant 0 : i32
        %dma_wait3A_168 = arith.constant 0 : i32
        %dma_wait3A_169 = tpu.memref_slice %dma_wait3A_166[%add3A_11, %dma_wait3A_167, %dma_wait3A_168] : memref<5x25x80xi32, #tpu.memory_space<hbm>> -> memref<1x25x80xi32, #tpu.memory_space<hbm>>
        %dma_wait3A_170 = tpu.memref_squeeze %dma_wait3A_169 : memref<1x25x80xi32, #tpu.memory_space<hbm>> -> memref<25x80xi32, #tpu.memory_space<hbm>>
        %dma_wait3A_171 = arith.constant 0 : i32
        %dma_wait3A_172 = arith.constant 0 : i32
        %dma_wait3A_173 = arith.constant 0 : i32
        %dma_wait3A_174 = tpu.memref_slice %arg3[%arg1, %dma_wait3A_171, %dma_wait3A_172, %dma_wait3A_173] : memref<16x5x25x80xi32, #tpu.memory_space<hbm>> -> memref<1x5x25x80xi32, #tpu.memory_space<hbm>>
        %dma_wait3A_175 = tpu.memref_squeeze %dma_wait3A_174 : memref<1x5x25x80xi32, #tpu.memory_space<hbm>> -> memref<5x25x80xi32, #tpu.memory_space<hbm>>
        %dma_wait3A_176 = arith.constant 0 : i32
        %dma_wait3A_177 = arith.constant 0 : i32
        %dma_wait3A_178 = tpu.memref_slice %dma_wait3A_175[%add3A_11, %dma_wait3A_176, %dma_wait3A_177] : memref<5x25x80xi32, #tpu.memory_space<hbm>> -> memref<1x25x80xi32, #tpu.memory_space<hbm>>
        %dma_wait3A_179 = tpu.memref_squeeze %dma_wait3A_178 : memref<1x25x80xi32, #tpu.memory_space<hbm>> -> memref<25x80xi32, #tpu.memory_space<hbm>>
        tpu.wait_dma2 semaphore(%run_scoped3A : memref<!tpu.dma_semaphore, #tpu.memory_space<semaphore_mem>>) src(%dma_wait3A_179 : memref<25x80xi32, #tpu.memory_space<hbm>>) dst(%arg7 : memref<25x80xi32, #tpu.memory_space<vmem>>)
        tpu.yield
      }) : () -> ()
      "tpu.region"() ({
        %run_scoped3A = tpu.sem_alloc : memref<!tpu.dma_semaphore, #tpu.memory_space<semaphore_mem>>
        %dma_start3A_144 = arith.constant 0 : i32
        %dma_start3A_145 = arith.constant 0 : i32
        %dma_start3A_146 = arith.constant 0 : i32
        %dma_start3A_147 = tpu.memref_slice %arg4[%arg1, %dma_start3A_144, %dma_start3A_145, %dma_start3A_146] : memref<16x5x25x80xi32, #tpu.memory_space<hbm>> -> memref<1x5x25x80xi32, #tpu.memory_space<hbm>>
        %dma_start3A_148 = tpu.memref_squeeze %dma_start3A_147 : memref<1x5x25x80xi32, #tpu.memory_space<hbm>> -> memref<5x25x80xi32, #tpu.memory_space<hbm>>
        %dma_start3A_149 = arith.constant 0 : i32
        %dma_start3A_150 = arith.constant 0 : i32
        %dma_start3A_151 = tpu.memref_slice %dma_start3A_148[%add3A_11, %dma_start3A_149, %dma_start3A_150] : memref<5x25x80xi32, #tpu.memory_space<hbm>> -> memref<1x25x80xi32, #tpu.memory_space<hbm>>
        %dma_start3A_152 = tpu.memref_squeeze %dma_start3A_151 : memref<1x25x80xi32, #tpu.memory_space<hbm>> -> memref<25x80xi32, #tpu.memory_space<hbm>>
        %dma_start3A_153 = arith.constant 0 : i32
        %dma_start3A_154 = arith.constant 0 : i32
        %dma_start3A_155 = arith.constant 0 : i32
        %dma_start3A_156 = tpu.memref_slice %arg4[%arg1, %dma_start3A_153, %dma_start3A_154, %dma_start3A_155] : memref<16x5x25x80xi32, #tpu.memory_space<hbm>> -> memref<1x5x25x80xi32, #tpu.memory_space<hbm>>
        %dma_start3A_157 = tpu.memref_squeeze %dma_start3A_156 : memref<1x5x25x80xi32, #tpu.memory_space<hbm>> -> memref<5x25x80xi32, #tpu.memory_space<hbm>>
        %dma_start3A_158 = arith.constant 0 : i32
        %dma_start3A_159 = arith.constant 0 : i32
        %dma_start3A_160 = tpu.memref_slice %dma_start3A_157[%add3A_11, %dma_start3A_158, %dma_start3A_159] : memref<5x25x80xi32, #tpu.memory_space<hbm>> -> memref<1x25x80xi32, #tpu.memory_space<hbm>>
        %dma_start3A_161 = tpu.memref_squeeze %dma_start3A_160 : memref<1x25x80xi32, #tpu.memory_space<hbm>> -> memref<25x80xi32, #tpu.memory_space<hbm>>
        tpu.enqueue_dma source(%dma_start3A_161 : memref<25x80xi32, #tpu.memory_space<hbm>>) target(%arg8 : memref<25x80xi32, #tpu.memory_space<vmem>>) target_semaphore(%run_scoped3A : memref<!tpu.dma_semaphore, #tpu.memory_space<semaphore_mem>>)
        %dma_wait3A_162 = arith.constant 0 : i32
        %dma_wait3A_163 = arith.constant 0 : i32
        %dma_wait3A_164 = arith.constant 0 : i32
        %dma_wait3A_165 = tpu.memref_slice %arg4[%arg1, %dma_wait3A_162, %dma_wait3A_163, %dma_wait3A_164] : memref<16x5x25x80xi32, #tpu.memory_space<hbm>> -> memref<1x5x25x80xi32, #tpu.memory_space<hbm>>
        %dma_wait3A_166 = tpu.memref_squeeze %dma_wait3A_165 : memref<1x5x25x80xi32, #tpu.memory_space<hbm>> -> memref<5x25x80xi32, #tpu.memory_space<hbm>>
        %dma_wait3A_167 = arith.constant 0 : i32
        %dma_wait3A_168 = arith.constant 0 : i32
        %dma_wait3A_169 = tpu.memref_slice %dma_wait3A_166[%add3A_11, %dma_wait3A_167, %dma_wait3A_168] : memref<5x25x80xi32, #tpu.memory_space<hbm>> -> memref<1x25x80xi32, #tpu.memory_space<hbm>>
        %dma_wait3A_170 = tpu.memref_squeeze %dma_wait3A_169 : memref<1x25x80xi32, #tpu.memory_space<hbm>> -> memref<25x80xi32, #tpu.memory_space<hbm>>
        %dma_wait3A_171 = arith.constant 0 : i32
        %dma_wait3A_172 = arith.constant 0 : i32
        %dma_wait3A_173 = arith.constant 0 : i32
        %dma_wait3A_174 = tpu.memref_slice %arg4[%arg1, %dma_wait3A_171, %dma_wait3A_172, %dma_wait3A_173] : memref<16x5x25x80xi32, #tpu.memory_space<hbm>> -> memref<1x5x25x80xi32, #tpu.memory_space<hbm>>
        %dma_wait3A_175 = tpu.memref_squeeze %dma_wait3A_174 : memref<1x5x25x80xi32, #tpu.memory_space<hbm>> -> memref<5x25x80xi32, #tpu.memory_space<hbm>>
        %dma_wait3A_176 = arith.constant 0 : i32
        %dma_wait3A_177 = arith.constant 0 : i32
        %dma_wait3A_178 = tpu.memref_slice %dma_wait3A_175[%add3A_11, %dma_wait3A_176, %dma_wait3A_177] : memref<5x25x80xi32, #tpu.memory_space<hbm>> -> memref<1x25x80xi32, #tpu.memory_space<hbm>>
        %dma_wait3A_179 = tpu.memref_squeeze %dma_wait3A_178 : memref<1x25x80xi32, #tpu.memory_space<hbm>> -> memref<25x80xi32, #tpu.memory_space<hbm>>
        tpu.wait_dma2 semaphore(%run_scoped3A : memref<!tpu.dma_semaphore, #tpu.memory_space<semaphore_mem>>) src(%dma_wait3A_179 : memref<25x80xi32, #tpu.memory_space<hbm>>) dst(%arg8 : memref<25x80xi32, #tpu.memory_space<vmem>>)
        tpu.yield
      }) : () -> ()
      %dma_start3A = arith.constant 0 : i32
      %dma_start3A_12 = arith.constant 0 : i32
      %dma_start3A_13 = tpu.memref_slice %arg7[%dma_start3A, %dma_start3A_12] : memref<25x80xi32, #tpu.memory_space<vmem>> -> memref<1x80xi32, #tpu.memory_space<vmem>>
      %dma_start3A_14 = tpu.memref_squeeze %dma_start3A_13 : memref<1x80xi32, #tpu.memory_space<vmem>> -> memref<80xi32, #tpu.memory_space<vmem>>
      %dma_start3A_15 = arith.constant 0 : i32
      %dma_start3A_16 = arith.constant 0 : i32
      %dma_start3A_17 = tpu.memref_slice %arg2[%arg0, %dma_start3A_15, %dma_start3A_16] : memref<2x10000x128xf32, #tpu.memory_space<hbm>> -> memref<1x10000x128xf32, #tpu.memory_space<hbm>>
      %dma_start3A_18 = tpu.memref_squeeze %dma_start3A_17 : memref<1x10000x128xf32, #tpu.memory_space<hbm>> -> memref<10000x128xf32, #tpu.memory_space<hbm>>
      %dma_start3A_19 = arith.constant 0 : i32
      %dma_start3A_20 = arith.constant 0 : i32
      %dma_start3A_21 = tpu.memref_slice %dma_start3A_18[%dma_start3A_19, %dma_start3A_20] : memref<10000x128xf32, #tpu.memory_space<hbm>> -> memref<10000x128xf32, #tpu.memory_space<hbm>>
      tpu.enqueue_indirect_dma source(%dma_start3A_21 : memref<10000x128xf32, #tpu.memory_space<hbm>>) target(%arg9 : memref<80x128xf32, #tpu.memory_space<vmem>>) offsets(%dma_start3A_14 : memref<80xi32, #tpu.memory_space<vmem>>) semaphore(%arg12 : memref<!tpu.dma_semaphore, #tpu.memory_space<semaphore_mem>>)
      %dma_wait3A = arith.constant 0 : i32
      %dma_wait3A_22 = arith.constant 0 : i32
      %dma_wait3A_23 = tpu.memref_slice %arg7[%dma_wait3A, %dma_wait3A_22] : memref<25x80xi32, #tpu.memory_space<vmem>> -> memref<1x80xi32, #tpu.memory_space<vmem>>
      %dma_wait3A_24 = tpu.memref_squeeze %dma_wait3A_23 : memref<1x80xi32, #tpu.memory_space<vmem>> -> memref<80xi32, #tpu.memory_space<vmem>>
      %dma_wait3A_25 = arith.constant 0 : i32
      %dma_wait3A_26 = arith.constant 0 : i32
      %dma_wait3A_27 = tpu.memref_slice %arg2[%arg0, %dma_wait3A_25, %dma_wait3A_26] : memref<2x10000x128xf32, #tpu.memory_space<hbm>> -> memref<1x10000x128xf32, #tpu.memory_space<hbm>>
      %dma_wait3A_28 = tpu.memref_squeeze %dma_wait3A_27 : memref<1x10000x128xf32, #tpu.memory_space<hbm>> -> memref<10000x128xf32, #tpu.memory_space<hbm>>
      %dma_wait3A_29 = arith.constant 0 : i32
      %dma_wait3A_30 = arith.constant 0 : i32
      %dma_wait3A_31 = tpu.memref_slice %dma_wait3A_28[%dma_wait3A_29, %dma_wait3A_30] : memref<10000x128xf32, #tpu.memory_space<hbm>> -> memref<10000x128xf32, #tpu.memory_space<hbm>>
      tpu.wait_indirect_dma semaphore(%arg12 : memref<!tpu.dma_semaphore, #tpu.memory_space<semaphore_mem>>) src(%dma_wait3A_31 : memref<10000x128xf32, #tpu.memory_space<hbm>>) dst(%arg9 : memref<80x128xf32, #tpu.memory_space<vmem>>)
      %dma_start3A_32 = arith.constant 0 : i32
      %dma_start3A_33 = arith.constant 0 : i32
      %dma_start3A_34 = tpu.memref_slice %arg8[%dma_start3A_32, %dma_start3A_33] : memref<25x80xi32, #tpu.memory_space<vmem>> -> memref<1x80xi32, #tpu.memory_space<vmem>>
      %dma_start3A_35 = tpu.memref_squeeze %dma_start3A_34 : memref<1x80xi32, #tpu.memory_space<vmem>> -> memref<80xi32, #tpu.memory_space<vmem>>
      %dma_start3A_36 = arith.constant 0 : i32
      %dma_start3A_37 = arith.constant 0 : i32
      %dma_start3A_38 = tpu.memref_slice %arg11[%dma_start3A_36, %dma_start3A_37] : memref<10240x128xf32, #tpu.memory_space<vmem_shared>> -> memref<10240x128xf32, #tpu.memory_space<vmem_shared>>
      tpu.enqueue_indirect_dma source(%arg9 : memref<80x128xf32, #tpu.memory_space<vmem>>) target(%dma_start3A_38 : memref<10240x128xf32, #tpu.memory_space<vmem_shared>>) offsets(%dma_start3A_35 : memref<80xi32, #tpu.memory_space<vmem>>) semaphore(%arg14 : memref<!tpu.dma_semaphore, #tpu.memory_space<semaphore_mem>>) {add = true}
      %dma_start3A_39 = arith.constant 1 : i32
      %dma_start3A_40 = arith.constant 0 : i32
      %dma_start3A_41 = tpu.memref_slice %arg7[%dma_start3A_39, %dma_start3A_40] : memref<25x80xi32, #tpu.memory_space<vmem>> -> memref<1x80xi32, #tpu.memory_space<vmem>>
      %dma_start3A_42 = tpu.memref_squeeze %dma_start3A_41 : memref<1x80xi32, #tpu.memory_space<vmem>> -> memref<80xi32, #tpu.memory_space<vmem>>
      %dma_start3A_43 = arith.constant 0 : i32
      %dma_start3A_44 = arith.constant 0 : i32
      %dma_start3A_45 = tpu.memref_slice %arg2[%arg0, %dma_start3A_43, %dma_start3A_44] : memref<2x10000x128xf32, #tpu.memory_space<hbm>> -> memref<1x10000x128xf32, #tpu.memory_space<hbm>>
      %dma_start3A_46 = tpu.memref_squeeze %dma_start3A_45 : memref<1x10000x128xf32, #tpu.memory_space<hbm>> -> memref<10000x128xf32, #tpu.memory_space<hbm>>
      %dma_start3A_47 = arith.constant 0 : i32
      %dma_start3A_48 = arith.constant 0 : i32
      %dma_start3A_49 = tpu.memref_slice %dma_start3A_46[%dma_start3A_47, %dma_start3A_48] : memref<10000x128xf32, #tpu.memory_space<hbm>> -> memref<10000x128xf32, #tpu.memory_space<hbm>>
      tpu.enqueue_indirect_dma source(%dma_start3A_49 : memref<10000x128xf32, #tpu.memory_space<hbm>>) target(%arg10 : memref<80x128xf32, #tpu.memory_space<vmem>>) offsets(%dma_start3A_42 : memref<80xi32, #tpu.memory_space<vmem>>) semaphore(%arg13 : memref<!tpu.dma_semaphore, #tpu.memory_space<semaphore_mem>>)
      %scan3A_50 = arith.constant 0 : i32
      %scan3A_51 = arith.constant 11 : i32
      %scan3A_52 = arith.addi %scan3A_50, %scan3A_51 : i32
      %scan3A_53 = arith.constant 1 : i32
      scf.for %scan3A_144 = %scan3A_50 to %scan3A_52 step %scan3A_53  : i32 {
        %mul3A_145 = arith.constant 2 : i32
        %mul3A_146 = arith.muli %scan3A_144, %mul3A_145 : i32
        %add3A_147 = arith.constant 1 : i32
        %add3A_148 = arith.addi %add3A_147, %mul3A_146 : i32
        %dma_wait3A_149 = arith.constant 0 : i32
        %dma_wait3A_150 = arith.constant 0 : i32
        %dma_wait3A_151 = tpu.memref_slice %arg7[%dma_wait3A_149, %dma_wait3A_150] : memref<25x80xi32, #tpu.memory_space<vmem>> -> memref<1x80xi32, #tpu.memory_space<vmem>>
        %dma_wait3A_152 = tpu.memref_squeeze %dma_wait3A_151 : memref<1x80xi32, #tpu.memory_space<vmem>> -> memref<80xi32, #tpu.memory_space<vmem>>
        %dma_wait3A_153 = arith.constant 0 : i32
        %dma_wait3A_154 = arith.constant 0 : i32
        %dma_wait3A_155 = tpu.memref_slice %arg2[%arg0, %dma_wait3A_153, %dma_wait3A_154] : memref<2x10000x128xf32, #tpu.memory_space<hbm>> -> memref<1x10000x128xf32, #tpu.memory_space<hbm>>
        %dma_wait3A_156 = tpu.memref_squeeze %dma_wait3A_155 : memref<1x10000x128xf32, #tpu.memory_space<hbm>> -> memref<10000x128xf32, #tpu.memory_space<hbm>>
        %dma_wait3A_157 = arith.constant 0 : i32
        %dma_wait3A_158 = arith.constant 0 : i32
        %dma_wait3A_159 = tpu.memref_slice %dma_wait3A_156[%dma_wait3A_157, %dma_wait3A_158] : memref<10000x128xf32, #tpu.memory_space<hbm>> -> memref<10000x128xf32, #tpu.memory_space<hbm>>
        tpu.wait_indirect_dma semaphore(%arg13 : memref<!tpu.dma_semaphore, #tpu.memory_space<semaphore_mem>>) src(%dma_wait3A_159 : memref<10000x128xf32, #tpu.memory_space<hbm>>) dst(%arg10 : memref<80x128xf32, #tpu.memory_space<vmem>>)
        %dma_start3A_160 = arith.constant 0 : i32
        %dma_start3A_161 = tpu.memref_slice %arg8[%add3A_148, %dma_start3A_160] : memref<25x80xi32, #tpu.memory_space<vmem>> -> memref<1x80xi32, #tpu.memory_space<vmem>>
        %dma_start3A_162 = tpu.memref_squeeze %dma_start3A_161 : memref<1x80xi32, #tpu.memory_space<vmem>> -> memref<80xi32, #tpu.memory_space<vmem>>
        %dma_start3A_163 = arith.constant 0 : i32
        %dma_start3A_164 = arith.constant 0 : i32
        %dma_start3A_165 = tpu.memref_slice %arg11[%dma_start3A_163, %dma_start3A_164] : memref<10240x128xf32, #tpu.memory_space<vmem_shared>> -> memref<10240x128xf32, #tpu.memory_space<vmem_shared>>
        tpu.enqueue_indirect_dma source(%arg10 : memref<80x128xf32, #tpu.memory_space<vmem>>) target(%dma_start3A_165 : memref<10240x128xf32, #tpu.memory_space<vmem_shared>>) offsets(%dma_start3A_162 : memref<80xi32, #tpu.memory_space<vmem>>) semaphore(%arg15 : memref<!tpu.dma_semaphore, #tpu.memory_space<semaphore_mem>>) {add = true}
        %dma_wait3A_166 = arith.constant 0 : i32
        %dma_wait3A_167 = arith.constant 0 : i32
        %dma_wait3A_168 = tpu.memref_slice %arg2[%arg0, %dma_wait3A_166, %dma_wait3A_167] : memref<2x10000x128xf32, #tpu.memory_space<hbm>> -> memref<1x10000x128xf32, #tpu.memory_space<hbm>>
        %dma_wait3A_169 = tpu.memref_squeeze %dma_wait3A_168 : memref<1x10000x128xf32, #tpu.memory_space<hbm>> -> memref<10000x128xf32, #tpu.memory_space<hbm>>
        %dma_wait3A_170 = arith.constant 0 : i32
        %dma_wait3A_171 = arith.constant 0 : i32
        %dma_wait3A_172 = tpu.memref_slice %dma_wait3A_169[%dma_wait3A_170, %dma_wait3A_171] : memref<10000x128xf32, #tpu.memory_space<hbm>> -> memref<80x128xf32, #tpu.memory_space<hbm>>
        %dma_wait3A_173 = arith.constant 0 : i32
        %dma_wait3A_174 = arith.constant 0 : i32
        %dma_wait3A_175 = tpu.memref_slice %arg2[%arg0, %dma_wait3A_173, %dma_wait3A_174] : memref<2x10000x128xf32, #tpu.memory_space<hbm>> -> memref<1x10000x128xf32, #tpu.memory_space<hbm>>
        %dma_wait3A_176 = tpu.memref_squeeze %dma_wait3A_175 : memref<1x10000x128xf32, #tpu.memory_space<hbm>> -> memref<10000x128xf32, #tpu.memory_space<hbm>>
        %dma_wait3A_177 = arith.constant 0 : i32
        %dma_wait3A_178 = arith.constant 0 : i32
        %dma_wait3A_179 = tpu.memref_slice %dma_wait3A_176[%dma_wait3A_177, %dma_wait3A_178] : memref<10000x128xf32, #tpu.memory_space<hbm>> -> memref<80x128xf32, #tpu.memory_space<hbm>>
        tpu.wait_dma2 semaphore(%arg14 : memref<!tpu.dma_semaphore, #tpu.memory_space<semaphore_mem>>) src(%dma_wait3A_179 : memref<80x128xf32, #tpu.memory_space<hbm>>) dst(%arg9 : memref<80x128xf32, #tpu.memory_space<vmem>>)
        %add3A_180 = arith.constant 1 : i32
        %add3A_181 = arith.addi %add3A_148, %add3A_180 : i32
        %dma_start3A_182 = arith.constant 0 : i32
        %dma_start3A_183 = tpu.memref_slice %arg7[%add3A_181, %dma_start3A_182] : memref<25x80xi32, #tpu.memory_space<vmem>> -> memref<1x80xi32, #tpu.memory_space<vmem>>
        %dma_start3A_184 = tpu.memref_squeeze %dma_start3A_183 : memref<1x80xi32, #tpu.memory_space<vmem>> -> memref<80xi32, #tpu.memory_space<vmem>>
        %dma_start3A_185 = arith.constant 0 : i32
        %dma_start3A_186 = arith.constant 0 : i32
        %dma_start3A_187 = tpu.memref_slice %arg2[%arg0, %dma_start3A_185, %dma_start3A_186] : memref<2x10000x128xf32, #tpu.memory_space<hbm>> -> memref<1x10000x128xf32, #tpu.memory_space<hbm>>
        %dma_start3A_188 = tpu.memref_squeeze %dma_start3A_187 : memref<1x10000x128xf32, #tpu.memory_space<hbm>> -> memref<10000x128xf32, #tpu.memory_space<hbm>>
        %dma_start3A_189 = arith.constant 0 : i32
        %dma_start3A_190 = arith.constant 0 : i32
        %dma_start3A_191 = tpu.memref_slice %dma_start3A_188[%dma_start3A_189, %dma_start3A_190] : memref<10000x128xf32, #tpu.memory_space<hbm>> -> memref<10000x128xf32, #tpu.memory_space<hbm>>
        tpu.enqueue_indirect_dma source(%dma_start3A_191 : memref<10000x128xf32, #tpu.memory_space<hbm>>) target(%arg9 : memref<80x128xf32, #tpu.memory_space<vmem>>) offsets(%dma_start3A_184 : memref<80xi32, #tpu.memory_space<vmem>>) semaphore(%arg12 : memref<!tpu.dma_semaphore, #tpu.memory_space<semaphore_mem>>)
        %dma_wait3A_192 = arith.constant 0 : i32
        %dma_wait3A_193 = arith.constant 0 : i32
        %dma_wait3A_194 = tpu.memref_slice %arg7[%dma_wait3A_192, %dma_wait3A_193] : memref<25x80xi32, #tpu.memory_space<vmem>> -> memref<1x80xi32, #tpu.memory_space<vmem>>
        %dma_wait3A_195 = tpu.memref_squeeze %dma_wait3A_194 : memref<1x80xi32, #tpu.memory_space<vmem>> -> memref<80xi32, #tpu.memory_space<vmem>>
        %dma_wait3A_196 = arith.constant 0 : i32
        %dma_wait3A_197 = arith.constant 0 : i32
        %dma_wait3A_198 = tpu.memref_slice %arg2[%arg0, %dma_wait3A_196, %dma_wait3A_197] : memref<2x10000x128xf32, #tpu.memory_space<hbm>> -> memref<1x10000x128xf32, #tpu.memory_space<hbm>>
        %dma_wait3A_199 = tpu.memref_squeeze %dma_wait3A_198 : memref<1x10000x128xf32, #tpu.memory_space<hbm>> -> memref<10000x128xf32, #tpu.memory_space<hbm>>
        %dma_wait3A_200 = arith.constant 0 : i32
        %dma_wait3A_201 = arith.constant 0 : i32
        %dma_wait3A_202 = tpu.memref_slice %dma_wait3A_199[%dma_wait3A_200, %dma_wait3A_201] : memref<10000x128xf32, #tpu.memory_space<hbm>> -> memref<10000x128xf32, #tpu.memory_space<hbm>>
        tpu.wait_indirect_dma semaphore(%arg12 : memref<!tpu.dma_semaphore, #tpu.memory_space<semaphore_mem>>) src(%dma_wait3A_202 : memref<10000x128xf32, #tpu.memory_space<hbm>>) dst(%arg9 : memref<80x128xf32, #tpu.memory_space<vmem>>)
        %add3A_203 = arith.constant 1 : i32
        %add3A_204 = arith.addi %add3A_148, %add3A_203 : i32
        %dma_start3A_205 = arith.constant 0 : i32
        %dma_start3A_206 = tpu.memref_slice %arg8[%add3A_204, %dma_start3A_205] : memref<25x80xi32, #tpu.memory_space<vmem>> -> memref<1x80xi32, #tpu.memory_space<vmem>>
        %dma_start3A_207 = tpu.memref_squeeze %dma_start3A_206 : memref<1x80xi32, #tpu.memory_space<vmem>> -> memref<80xi32, #tpu.memory_space<vmem>>
        %dma_start3A_208 = arith.constant 0 : i32
        %dma_start3A_209 = arith.constant 0 : i32
        %dma_start3A_210 = tpu.memref_slice %arg11[%dma_start3A_208, %dma_start3A_209] : memref<10240x128xf32, #tpu.memory_space<vmem_shared>> -> memref<10240x128xf32, #tpu.memory_space<vmem_shared>>
        tpu.enqueue_indirect_dma source(%arg9 : memref<80x128xf32, #tpu.memory_space<vmem>>) target(%dma_start3A_210 : memref<10240x128xf32, #tpu.memory_space<vmem_shared>>) offsets(%dma_start3A_207 : memref<80xi32, #tpu.memory_space<vmem>>) semaphore(%arg14 : memref<!tpu.dma_semaphore, #tpu.memory_space<semaphore_mem>>) {add = true}
        %dma_wait3A_211 = arith.constant 0 : i32
        %dma_wait3A_212 = arith.constant 0 : i32
        %dma_wait3A_213 = tpu.memref_slice %arg2[%arg0, %dma_wait3A_211, %dma_wait3A_212] : memref<2x10000x128xf32, #tpu.memory_space<hbm>> -> memref<1x10000x128xf32, #tpu.memory_space<hbm>>
        %dma_wait3A_214 = tpu.memref_squeeze %dma_wait3A_213 : memref<1x10000x128xf32, #tpu.memory_space<hbm>> -> memref<10000x128xf32, #tpu.memory_space<hbm>>
        %dma_wait3A_215 = arith.constant 0 : i32
        %dma_wait3A_216 = arith.constant 0 : i32
        %dma_wait3A_217 = tpu.memref_slice %dma_wait3A_214[%dma_wait3A_215, %dma_wait3A_216] : memref<10000x128xf32, #tpu.memory_space<hbm>> -> memref<80x128xf32, #tpu.memory_space<hbm>>
        %dma_wait3A_218 = arith.constant 0 : i32
        %dma_wait3A_219 = arith.constant 0 : i32
        %dma_wait3A_220 = tpu.memref_slice %arg2[%arg0, %dma_wait3A_218, %dma_wait3A_219] : memref<2x10000x128xf32, #tpu.memory_space<hbm>> -> memref<1x10000x128xf32, #tpu.memory_space<hbm>>
        %dma_wait3A_221 = tpu.memref_squeeze %dma_wait3A_220 : memref<1x10000x128xf32, #tpu.memory_space<hbm>> -> memref<10000x128xf32, #tpu.memory_space<hbm>>
        %dma_wait3A_222 = arith.constant 0 : i32
        %dma_wait3A_223 = arith.constant 0 : i32
        %dma_wait3A_224 = tpu.memref_slice %dma_wait3A_221[%dma_wait3A_222, %dma_wait3A_223] : memref<10000x128xf32, #tpu.memory_space<hbm>> -> memref<80x128xf32, #tpu.memory_space<hbm>>
        tpu.wait_dma2 semaphore(%arg15 : memref<!tpu.dma_semaphore, #tpu.memory_space<semaphore_mem>>) src(%dma_wait3A_224 : memref<80x128xf32, #tpu.memory_space<hbm>>) dst(%arg10 : memref<80x128xf32, #tpu.memory_space<vmem>>)
        %add3A_225 = arith.constant 2 : i32
        %add3A_226 = arith.addi %add3A_148, %add3A_225 : i32
        %dma_start3A_227 = arith.constant 0 : i32
        %dma_start3A_228 = tpu.memref_slice %arg7[%add3A_226, %dma_start3A_227] : memref<25x80xi32, #tpu.memory_space<vmem>> -> memref<1x80xi32, #tpu.memory_space<vmem>>
        %dma_start3A_229 = tpu.memref_squeeze %dma_start3A_228 : memref<1x80xi32, #tpu.memory_space<vmem>> -> memref<80xi32, #tpu.memory_space<vmem>>
        %dma_start3A_230 = arith.constant 0 : i32
        %dma_start3A_231 = arith.constant 0 : i32
        %dma_start3A_232 = tpu.memref_slice %arg2[%arg0, %dma_start3A_230, %dma_start3A_231] : memref<2x10000x128xf32, #tpu.memory_space<hbm>> -> memref<1x10000x128xf32, #tpu.memory_space<hbm>>
        %dma_start3A_233 = tpu.memref_squeeze %dma_start3A_232 : memref<1x10000x128xf32, #tpu.memory_space<hbm>> -> memref<10000x128xf32, #tpu.memory_space<hbm>>
        %dma_start3A_234 = arith.constant 0 : i32
        %dma_start3A_235 = arith.constant 0 : i32
        %dma_start3A_236 = tpu.memref_slice %dma_start3A_233[%dma_start3A_234, %dma_start3A_235] : memref<10000x128xf32, #tpu.memory_space<hbm>> -> memref<10000x128xf32, #tpu.memory_space<hbm>>
        tpu.enqueue_indirect_dma source(%dma_start3A_236 : memref<10000x128xf32, #tpu.memory_space<hbm>>) target(%arg10 : memref<80x128xf32, #tpu.memory_space<vmem>>) offsets(%dma_start3A_229 : memref<80xi32, #tpu.memory_space<vmem>>) semaphore(%arg13 : memref<!tpu.dma_semaphore, #tpu.memory_space<semaphore_mem>>)
      }
      %scan3A_54 = arith.constant 11 : i32
      %dma_wait3A_55 = arith.constant 0 : i32
      %dma_wait3A_56 = arith.constant 0 : i32
      %dma_wait3A_57 = tpu.memref_slice %arg7[%dma_wait3A_55, %dma_wait3A_56] : memref<25x80xi32, #tpu.memory_space<vmem>> -> memref<1x80xi32, #tpu.memory_space<vmem>>
      %dma_wait3A_58 = tpu.memref_squeeze %dma_wait3A_57 : memref<1x80xi32, #tpu.memory_space<vmem>> -> memref<80xi32, #tpu.memory_space<vmem>>
      %dma_wait3A_59 = arith.constant 0 : i32
      %dma_wait3A_60 = arith.constant 0 : i32
      %dma_wait3A_61 = tpu.memref_slice %arg2[%arg0, %dma_wait3A_59, %dma_wait3A_60] : memref<2x10000x128xf32, #tpu.memory_space<hbm>> -> memref<1x10000x128xf32, #tpu.memory_space<hbm>>
      %dma_wait3A_62 = tpu.memref_squeeze %dma_wait3A_61 : memref<1x10000x128xf32, #tpu.memory_space<hbm>> -> memref<10000x128xf32, #tpu.memory_space<hbm>>
      %dma_wait3A_63 = arith.constant 0 : i32
      %dma_wait3A_64 = arith.constant 0 : i32
      %dma_wait3A_65 = tpu.memref_slice %dma_wait3A_62[%dma_wait3A_63, %dma_wait3A_64] : memref<10000x128xf32, #tpu.memory_space<hbm>> -> memref<10000x128xf32, #tpu.memory_space<hbm>>
      tpu.wait_indirect_dma semaphore(%arg13 : memref<!tpu.dma_semaphore, #tpu.memory_space<semaphore_mem>>) src(%dma_wait3A_65 : memref<10000x128xf32, #tpu.memory_space<hbm>>) dst(%arg10 : memref<80x128xf32, #tpu.memory_space<vmem>>)
      %dma_start3A_66 = arith.constant 23 : i32
      %dma_start3A_67 = arith.constant 0 : i32
      %dma_start3A_68 = tpu.memref_slice %arg8[%dma_start3A_66, %dma_start3A_67] : memref<25x80xi32, #tpu.memory_space<vmem>> -> memref<1x80xi32, #tpu.memory_space<vmem>>
      %dma_start3A_69 = tpu.memref_squeeze %dma_start3A_68 : memref<1x80xi32, #tpu.memory_space<vmem>> -> memref<80xi32, #tpu.memory_space<vmem>>
      %dma_start3A_70 = arith.constant 0 : i32
      %dma_start3A_71 = arith.constant 0 : i32
      %dma_start3A_72 = tpu.memref_slice %arg11[%dma_start3A_70, %dma_start3A_71] : memref<10240x128xf32, #tpu.memory_space<vmem_shared>> -> memref<10240x128xf32, #tpu.memory_space<vmem_shared>>
      tpu.enqueue_indirect_dma source(%arg10 : memref<80x128xf32, #tpu.memory_space<vmem>>) target(%dma_start3A_72 : memref<10240x128xf32, #tpu.memory_space<vmem_shared>>) offsets(%dma_start3A_69 : memref<80xi32, #tpu.memory_space<vmem>>) semaphore(%arg15 : memref<!tpu.dma_semaphore, #tpu.memory_space<semaphore_mem>>) {add = true}
      %dma_wait3A_73 = arith.constant 0 : i32
      %dma_wait3A_74 = arith.constant 0 : i32
      %dma_wait3A_75 = tpu.memref_slice %arg2[%arg0, %dma_wait3A_73, %dma_wait3A_74] : memref<2x10000x128xf32, #tpu.memory_space<hbm>> -> memref<1x10000x128xf32, #tpu.memory_space<hbm>>
      %dma_wait3A_76 = tpu.memref_squeeze %dma_wait3A_75 : memref<1x10000x128xf32, #tpu.memory_space<hbm>> -> memref<10000x128xf32, #tpu.memory_space<hbm>>
      %dma_wait3A_77 = arith.constant 0 : i32
      %dma_wait3A_78 = arith.constant 0 : i32
      %dma_wait3A_79 = tpu.memref_slice %dma_wait3A_76[%dma_wait3A_77, %dma_wait3A_78] : memref<10000x128xf32, #tpu.memory_space<hbm>> -> memref<80x128xf32, #tpu.memory_space<hbm>>
      %dma_wait3A_80 = arith.constant 0 : i32
      %dma_wait3A_81 = arith.constant 0 : i32
      %dma_wait3A_82 = tpu.memref_slice %arg2[%arg0, %dma_wait3A_80, %dma_wait3A_81] : memref<2x10000x128xf32, #tpu.memory_space<hbm>> -> memref<1x10000x128xf32, #tpu.memory_space<hbm>>
      %dma_wait3A_83 = tpu.memref_squeeze %dma_wait3A_82 : memref<1x10000x128xf32, #tpu.memory_space<hbm>> -> memref<10000x128xf32, #tpu.memory_space<hbm>>
      %dma_wait3A_84 = arith.constant 0 : i32
      %dma_wait3A_85 = arith.constant 0 : i32
      %dma_wait3A_86 = tpu.memref_slice %dma_wait3A_83[%dma_wait3A_84, %dma_wait3A_85] : memref<10000x128xf32, #tpu.memory_space<hbm>> -> memref<80x128xf32, #tpu.memory_space<hbm>>
      tpu.wait_dma2 semaphore(%arg14 : memref<!tpu.dma_semaphore, #tpu.memory_space<semaphore_mem>>) src(%dma_wait3A_86 : memref<80x128xf32, #tpu.memory_space<hbm>>) dst(%arg9 : memref<80x128xf32, #tpu.memory_space<vmem>>)
      %dma_start3A_87 = arith.constant 24 : i32
      %dma_start3A_88 = arith.constant 0 : i32
      %dma_start3A_89 = tpu.memref_slice %arg7[%dma_start3A_87, %dma_start3A_88] : memref<25x80xi32, #tpu.memory_space<vmem>> -> memref<1x80xi32, #tpu.memory_space<vmem>>
      %dma_start3A_90 = tpu.memref_squeeze %dma_start3A_89 : memref<1x80xi32, #tpu.memory_space<vmem>> -> memref<80xi32, #tpu.memory_space<vmem>>
      %dma_start3A_91 = arith.constant 0 : i32
      %dma_start3A_92 = arith.constant 0 : i32
      %dma_start3A_93 = tpu.memref_slice %arg2[%arg0, %dma_start3A_91, %dma_start3A_92] : memref<2x10000x128xf32, #tpu.memory_space<hbm>> -> memref<1x10000x128xf32, #tpu.memory_space<hbm>>
      %dma_start3A_94 = tpu.memref_squeeze %dma_start3A_93 : memref<1x10000x128xf32, #tpu.memory_space<hbm>> -> memref<10000x128xf32, #tpu.memory_space<hbm>>
      %dma_start3A_95 = arith.constant 0 : i32
      %dma_start3A_96 = arith.constant 0 : i32
      %dma_start3A_97 = tpu.memref_slice %dma_start3A_94[%dma_start3A_95, %dma_start3A_96] : memref<10000x128xf32, #tpu.memory_space<hbm>> -> memref<10000x128xf32, #tpu.memory_space<hbm>>
      tpu.enqueue_indirect_dma source(%dma_start3A_97 : memref<10000x128xf32, #tpu.memory_space<hbm>>) target(%arg9 : memref<80x128xf32, #tpu.memory_space<vmem>>) offsets(%dma_start3A_90 : memref<80xi32, #tpu.memory_space<vmem>>) semaphore(%arg12 : memref<!tpu.dma_semaphore, #tpu.memory_space<semaphore_mem>>)
      %dma_wait3A_98 = arith.constant 0 : i32
      %dma_wait3A_99 = arith.constant 0 : i32
      %dma_wait3A_100 = tpu.memref_slice %arg7[%dma_wait3A_98, %dma_wait3A_99] : memref<25x80xi32, #tpu.memory_space<vmem>> -> memref<1x80xi32, #tpu.memory_space<vmem>>
      %dma_wait3A_101 = tpu.memref_squeeze %dma_wait3A_100 : memref<1x80xi32, #tpu.memory_space<vmem>> -> memref<80xi32, #tpu.memory_space<vmem>>
      %dma_wait3A_102 = arith.constant 0 : i32
      %dma_wait3A_103 = arith.constant 0 : i32
      %dma_wait3A_104 = tpu.memref_slice %arg2[%arg0, %dma_wait3A_102, %dma_wait3A_103] : memref<2x10000x128xf32, #tpu.memory_space<hbm>> -> memref<1x10000x128xf32, #tpu.memory_space<hbm>>
      %dma_wait3A_105 = tpu.memref_squeeze %dma_wait3A_104 : memref<1x10000x128xf32, #tpu.memory_space<hbm>> -> memref<10000x128xf32, #tpu.memory_space<hbm>>
      %dma_wait3A_106 = arith.constant 0 : i32
      %dma_wait3A_107 = arith.constant 0 : i32
      %dma_wait3A_108 = tpu.memref_slice %dma_wait3A_105[%dma_wait3A_106, %dma_wait3A_107] : memref<10000x128xf32, #tpu.memory_space<hbm>> -> memref<10000x128xf32, #tpu.memory_space<hbm>>
      tpu.wait_indirect_dma semaphore(%arg12 : memref<!tpu.dma_semaphore, #tpu.memory_space<semaphore_mem>>) src(%dma_wait3A_108 : memref<10000x128xf32, #tpu.memory_space<hbm>>) dst(%arg9 : memref<80x128xf32, #tpu.memory_space<vmem>>)
      %dma_start3A_109 = arith.constant 24 : i32
      %dma_start3A_110 = arith.constant 0 : i32
      %dma_start3A_111 = tpu.memref_slice %arg8[%dma_start3A_109, %dma_start3A_110] : memref<25x80xi32, #tpu.memory_space<vmem>> -> memref<1x80xi32, #tpu.memory_space<vmem>>
      %dma_start3A_112 = tpu.memref_squeeze %dma_start3A_111 : memref<1x80xi32, #tpu.memory_space<vmem>> -> memref<80xi32, #tpu.memory_space<vmem>>
      %dma_start3A_113 = arith.constant 0 : i32
      %dma_start3A_114 = arith.constant 0 : i32
      %dma_start3A_115 = tpu.memref_slice %arg11[%dma_start3A_113, %dma_start3A_114] : memref<10240x128xf32, #tpu.memory_space<vmem_shared>> -> memref<10240x128xf32, #tpu.memory_space<vmem_shared>>
      tpu.enqueue_indirect_dma source(%arg9 : memref<80x128xf32, #tpu.memory_space<vmem>>) target(%dma_start3A_115 : memref<10240x128xf32, #tpu.memory_space<vmem_shared>>) offsets(%dma_start3A_112 : memref<80xi32, #tpu.memory_space<vmem>>) semaphore(%arg14 : memref<!tpu.dma_semaphore, #tpu.memory_space<semaphore_mem>>) {add = true}
      %dma_wait3A_116 = arith.constant 0 : i32
      %dma_wait3A_117 = arith.constant 0 : i32
      %dma_wait3A_118 = tpu.memref_slice %arg2[%arg0, %dma_wait3A_116, %dma_wait3A_117] : memref<2x10000x128xf32, #tpu.memory_space<hbm>> -> memref<1x10000x128xf32, #tpu.memory_space<hbm>>
      %dma_wait3A_119 = tpu.memref_squeeze %dma_wait3A_118 : memref<1x10000x128xf32, #tpu.memory_space<hbm>> -> memref<10000x128xf32, #tpu.memory_space<hbm>>
      %dma_wait3A_120 = arith.constant 0 : i32
      %dma_wait3A_121 = arith.constant 0 : i32
      %dma_wait3A_122 = tpu.memref_slice %dma_wait3A_119[%dma_wait3A_120, %dma_wait3A_121] : memref<10000x128xf32, #tpu.memory_space<hbm>> -> memref<80x128xf32, #tpu.memory_space<hbm>>
      %dma_wait3A_123 = arith.constant 0 : i32
      %dma_wait3A_124 = arith.constant 0 : i32
      %dma_wait3A_125 = tpu.memref_slice %arg2[%arg0, %dma_wait3A_123, %dma_wait3A_124] : memref<2x10000x128xf32, #tpu.memory_space<hbm>> -> memref<1x10000x128xf32, #tpu.memory_space<hbm>>
      %dma_wait3A_126 = tpu.memref_squeeze %dma_wait3A_125 : memref<1x10000x128xf32, #tpu.memory_space<hbm>> -> memref<10000x128xf32, #tpu.memory_space<hbm>>
      %dma_wait3A_127 = arith.constant 0 : i32
      %dma_wait3A_128 = arith.constant 0 : i32
      %dma_wait3A_129 = tpu.memref_slice %dma_wait3A_126[%dma_wait3A_127, %dma_wait3A_128] : memref<10000x128xf32, #tpu.memory_space<hbm>> -> memref<80x128xf32, #tpu.memory_space<hbm>>
      tpu.wait_dma2 semaphore(%arg15 : memref<!tpu.dma_semaphore, #tpu.memory_space<semaphore_mem>>) src(%dma_wait3A_129 : memref<80x128xf32, #tpu.memory_space<hbm>>) dst(%arg10 : memref<80x128xf32, #tpu.memory_space<vmem>>)
      %dma_wait3A_130 = arith.constant 0 : i32
      %dma_wait3A_131 = arith.constant 0 : i32
      %dma_wait3A_132 = tpu.memref_slice %arg2[%arg0, %dma_wait3A_130, %dma_wait3A_131] : memref<2x10000x128xf32, #tpu.memory_space<hbm>> -> memref<1x10000x128xf32, #tpu.memory_space<hbm>>
      %dma_wait3A_133 = tpu.memref_squeeze %dma_wait3A_132 : memref<1x10000x128xf32, #tpu.memory_space<hbm>> -> memref<10000x128xf32, #tpu.memory_space<hbm>>
      %dma_wait3A_134 = arith.constant 0 : i32
      %dma_wait3A_135 = arith.constant 0 : i32
      %dma_wait3A_136 = tpu.memref_slice %dma_wait3A_133[%dma_wait3A_134, %dma_wait3A_135] : memref<10000x128xf32, #tpu.memory_space<hbm>> -> memref<80x128xf32, #tpu.memory_space<hbm>>
      %dma_wait3A_137 = arith.constant 0 : i32
      %dma_wait3A_138 = arith.constant 0 : i32
      %dma_wait3A_139 = tpu.memref_slice %arg2[%arg0, %dma_wait3A_137, %dma_wait3A_138] : memref<2x10000x128xf32, #tpu.memory_space<hbm>> -> memref<1x10000x128xf32, #tpu.memory_space<hbm>>
      %dma_wait3A_140 = tpu.memref_squeeze %dma_wait3A_139 : memref<1x10000x128xf32, #tpu.memory_space<hbm>> -> memref<10000x128xf32, #tpu.memory_space<hbm>>
      %dma_wait3A_141 = arith.constant 0 : i32
      %dma_wait3A_142 = arith.constant 0 : i32
      %dma_wait3A_143 = tpu.memref_slice %dma_wait3A_140[%dma_wait3A_141, %dma_wait3A_142] : memref<10000x128xf32, #tpu.memory_space<hbm>> -> memref<80x128xf32, #tpu.memory_space<hbm>>
      tpu.wait_dma2 semaphore(%arg14 : memref<!tpu.dma_semaphore, #tpu.memory_space<semaphore_mem>>) src(%dma_wait3A_143 : memref<80x128xf32, #tpu.memory_space<hbm>>) dst(%arg9 : memref<80x128xf32, #tpu.memory_space<vmem>>)
    }
    %scan3A_4 = arith.constant 5 : i32
    %barrier3A_5 = arith.constant 0 : index
    tpu.barrier barrier_id(%barrier3A_5)
    %mul3A_6 = arith.constant 640 : i32
    %mul3A_7 = arith.muli %arg1, %mul3A_6 : i32
    "tpu.region"() ({
      %run_scoped3A = tpu.sem_alloc : memref<!tpu.dma_semaphore, #tpu.memory_space<semaphore_mem>>
      %dma_start3A = arith.constant 0 : i32
      %dma_start3A_8 = arith.constant 0 : i32
      %dma_start3A_9 = tpu.memref_slice %arg6[%arg0, %dma_start3A, %dma_start3A_8] : memref<2x10240x128xf32, #tpu.memory_space<hbm>> -> memref<1x10240x128xf32, #tpu.memory_space<hbm>>
      %dma_start3A_10 = tpu.memref_squeeze %dma_start3A_9 : memref<1x10240x128xf32, #tpu.memory_space<hbm>> -> memref<10240x128xf32, #tpu.memory_space<hbm>>
      %dma_start3A_11 = arith.constant 0 : i32
      %dma_start3A_12 = tpu.memref_slice %dma_start3A_10[%mul3A_7, %dma_start3A_11] : memref<10240x128xf32, #tpu.memory_space<hbm>> -> memref<640x128xf32, #tpu.memory_space<hbm>>
      %dma_start3A_13 = arith.constant 0 : i32
      %dma_start3A_14 = tpu.memref_slice %arg11[%mul3A_7, %dma_start3A_13] : memref<10240x128xf32, #tpu.memory_space<vmem_shared>> -> memref<640x128xf32, #tpu.memory_space<vmem_shared>>
      tpu.enqueue_dma source(%dma_start3A_14 : memref<640x128xf32, #tpu.memory_space<vmem_shared>>) target(%dma_start3A_12 : memref<640x128xf32, #tpu.memory_space<hbm>>) target_semaphore(%run_scoped3A : memref<!tpu.dma_semaphore, #tpu.memory_space<semaphore_mem>>)
      %dma_wait3A = arith.constant 0 : i32
      %dma_wait3A_15 = arith.constant 0 : i32
      %dma_wait3A_16 = tpu.memref_slice %arg6[%arg0, %dma_wait3A, %dma_wait3A_15] : memref<2x10240x128xf32, #tpu.memory_space<hbm>> -> memref<1x10240x128xf32, #tpu.memory_space<hbm>>
      %dma_wait3A_17 = tpu.memref_squeeze %dma_wait3A_16 : memref<1x10240x128xf32, #tpu.memory_space<hbm>> -> memref<10240x128xf32, #tpu.memory_space<hbm>>
      %dma_wait3A_18 = arith.constant 0 : i32
      %dma_wait3A_19 = tpu.memref_slice %dma_wait3A_17[%mul3A_7, %dma_wait3A_18] : memref<10240x128xf32, #tpu.memory_space<hbm>> -> memref<640x128xf32, #tpu.memory_space<hbm>>
      %dma_wait3A_20 = arith.constant 0 : i32
      %dma_wait3A_21 = tpu.memref_slice %arg11[%mul3A_7, %dma_wait3A_20] : memref<10240x128xf32, #tpu.memory_space<vmem_shared>> -> memref<640x128xf32, #tpu.memory_space<vmem_shared>>
      tpu.wait_dma2 semaphore(%run_scoped3A : memref<!tpu.dma_semaphore, #tpu.memory_space<semaphore_mem>>) src(%dma_wait3A_21 : memref<640x128xf32, #tpu.memory_space<vmem_shared>>) dst(%dma_wait3A_19 : memref<640x128xf32, #tpu.memory_space<hbm>>)
      tpu.yield
    }) : () -> ()
    return
  }
}

#map = affine_map<(d0, d1) -> (0, 0)>
module attributes {stable_mosaic.version = 14 : i64} {
  func.func @_sc_deg(%arg0: i32, %arg1: i32, %arg2: memref<32x5008xi32, #tpu.memory_space<hbm>>, %arg3: memref<32x10240xf32, #tpu.memory_space<hbm>>, %arg4: memref<5008xi32, #tpu.memory_space<vmem>>, %arg5: memref<10240xf32, #tpu.memory_space<vmem>>) attributes {dimension_semantics = [#tpu.dimension_semantics<core_parallel>, #tpu.dimension_semantics<subcore_parallel>], iteration_bounds = array<i64: 2, 16>, scalar_prefetch = 0 : i64, scratch_operands = 2 : i64, tpu.core_type = #tpu.core_type<sc_vector_subcore>, window_params = [{transform_indices = #map}, {transform_indices = #map}]} {
    %mul3A = arith.constant 2 : i32
    %mul3A_0 = arith.muli %arg1, %mul3A : i32
    %add3A = arith.addi %mul3A_0, %arg0 : i32
    "tpu.region"() ({
      %run_scoped3A = tpu.sem_alloc : memref<!tpu.dma_semaphore, #tpu.memory_space<semaphore_mem>>
      %dma_start3A = arith.constant 0 : i32
      %dma_start3A_10 = tpu.memref_slice %arg2[%add3A, %dma_start3A] : memref<32x5008xi32, #tpu.memory_space<hbm>> -> memref<1x5008xi32, #tpu.memory_space<hbm>>
      %dma_start3A_11 = tpu.memref_squeeze %dma_start3A_10 : memref<1x5008xi32, #tpu.memory_space<hbm>> -> memref<5008xi32, #tpu.memory_space<hbm>>
      %dma_start3A_12 = arith.constant 0 : i32
      %dma_start3A_13 = tpu.memref_slice %arg2[%add3A, %dma_start3A_12] : memref<32x5008xi32, #tpu.memory_space<hbm>> -> memref<1x5008xi32, #tpu.memory_space<hbm>>
      %dma_start3A_14 = tpu.memref_squeeze %dma_start3A_13 : memref<1x5008xi32, #tpu.memory_space<hbm>> -> memref<5008xi32, #tpu.memory_space<hbm>>
      tpu.enqueue_dma source(%dma_start3A_14 : memref<5008xi32, #tpu.memory_space<hbm>>) target(%arg4 : memref<5008xi32, #tpu.memory_space<vmem>>) target_semaphore(%run_scoped3A : memref<!tpu.dma_semaphore, #tpu.memory_space<semaphore_mem>>)
      %dma_wait3A = arith.constant 0 : i32
      %dma_wait3A_15 = tpu.memref_slice %arg2[%add3A, %dma_wait3A] : memref<32x5008xi32, #tpu.memory_space<hbm>> -> memref<1x5008xi32, #tpu.memory_space<hbm>>
      %dma_wait3A_16 = tpu.memref_squeeze %dma_wait3A_15 : memref<1x5008xi32, #tpu.memory_space<hbm>> -> memref<5008xi32, #tpu.memory_space<hbm>>
      %dma_wait3A_17 = arith.constant 0 : i32
      %dma_wait3A_18 = tpu.memref_slice %arg2[%add3A, %dma_wait3A_17] : memref<32x5008xi32, #tpu.memory_space<hbm>> -> memref<1x5008xi32, #tpu.memory_space<hbm>>
      %dma_wait3A_19 = tpu.memref_squeeze %dma_wait3A_18 : memref<1x5008xi32, #tpu.memory_space<hbm>> -> memref<5008xi32, #tpu.memory_space<hbm>>
      tpu.wait_dma2 semaphore(%run_scoped3A : memref<!tpu.dma_semaphore, #tpu.memory_space<semaphore_mem>>) src(%dma_wait3A_19 : memref<5008xi32, #tpu.memory_space<hbm>>) dst(%arg4 : memref<5008xi32, #tpu.memory_space<vmem>>)
      tpu.yield
    }) : () -> ()
    %scan3A = arith.constant 0 : i32
    %scan3A_1 = arith.constant 640 : i32
    %scan3A_2 = arith.addi %scan3A, %scan3A_1 : i32
    %scan3A_3 = arith.constant 1 : i32
    scf.for %scan3A_10 = %scan3A to %scan3A_2 step %scan3A_3  : i32 {
      %mul3A_11 = arith.constant 1 : i32
      %mul3A_12 = arith.muli %scan3A_10, %mul3A_11 : i32
      %add3A_13 = arith.constant 0 : i32
      %add3A_14 = arith.addi %add3A_13, %mul3A_12 : i32
      %broadcast_in_dim3A = arith.constant 0.000000e+00 : f32
      %broadcast_in_dim3A_15 = vector.broadcast %broadcast_in_dim3A : f32 to vector<16xf32>
      %mul3A_16 = arith.constant 16 : i32
      %mul3A_17 = arith.muli %mul3A_16, %add3A_14 : i32
      %swap3A = arith.index_cast %mul3A_17 : i32 to index
      %swap3A_18 = tpu.vector_load %arg5[%swap3A] {strides = array<i32>} : memref<10240xf32, #tpu.memory_space<vmem>>, vector<16xf32>,
      tpu.vector_store %arg5[%swap3A], %broadcast_in_dim3A_15 {strides = array<i32>} : memref<10240xf32, #tpu.memory_space<vmem>>, vector<16xf32>,
    }
    %scan3A_4 = arith.constant 640 : i32
    %scan3A_5 = arith.constant 0 : i32
    %scan3A_6 = arith.constant 313 : i32
    %scan3A_7 = arith.addi %scan3A_5, %scan3A_6 : i32
    %scan3A_8 = arith.constant 1 : i32
    scf.for %scan3A_10 = %scan3A_5 to %scan3A_7 step %scan3A_8  : i32 {
      %mul3A_11 = arith.constant 1 : i32
      %mul3A_12 = arith.muli %scan3A_10, %mul3A_11 : i32
      %add3A_13 = arith.constant 0 : i32
      %add3A_14 = arith.addi %add3A_13, %mul3A_12 : i32
      %mul3A_15 = arith.constant 16 : i32
      %mul3A_16 = arith.muli %mul3A_15, %add3A_14 : i32
      %get3A = arith.index_cast %mul3A_16 : i32 to index
      %get3A_17 = tpu.vector_load %arg4[%get3A] {strides = array<i32>} : memref<5008xi32, #tpu.memory_space<vmem>>, vector<16xi32>,
      %broadcast_in_dim3A = arith.constant 1.000000e+00 : f32
      %broadcast_in_dim3A_18 = vector.broadcast %broadcast_in_dim3A : f32 to vector<16xf32>
      tpu.vector_store_idx %arg5[%get3A_17], %broadcast_in_dim3A_18 {add = true} : memref<10240xf32, #tpu.memory_space<vmem>>[vector<16xi32>], vector<16xf32>,
    }
    %scan3A_9 = arith.constant 313 : i32
    "tpu.region"() ({
      %run_scoped3A = tpu.sem_alloc : memref<!tpu.dma_semaphore, #tpu.memory_space<semaphore_mem>>
      %dma_start3A = arith.constant 0 : i32
      %dma_start3A_10 = tpu.memref_slice %arg3[%add3A, %dma_start3A] : memref<32x10240xf32, #tpu.memory_space<hbm>> -> memref<1x10240xf32, #tpu.memory_space<hbm>>
      %dma_start3A_11 = tpu.memref_squeeze %dma_start3A_10 : memref<1x10240xf32, #tpu.memory_space<hbm>> -> memref<10240xf32, #tpu.memory_space<hbm>>
      %dma_start3A_12 = arith.constant 0 : i32
      %dma_start3A_13 = tpu.memref_slice %arg3[%add3A, %dma_start3A_12] : memref<32x10240xf32, #tpu.memory_space<hbm>> -> memref<1x10240xf32, #tpu.memory_space<hbm>>
      %dma_start3A_14 = tpu.memref_squeeze %dma_start3A_13 : memref<1x10240xf32, #tpu.memory_space<hbm>> -> memref<10240xf32, #tpu.memory_space<hbm>>
      tpu.enqueue_dma source(%arg5 : memref<10240xf32, #tpu.memory_space<vmem>>) target(%dma_start3A_14 : memref<10240xf32, #tpu.memory_space<hbm>>) target_semaphore(%run_scoped3A : memref<!tpu.dma_semaphore, #tpu.memory_space<semaphore_mem>>)
      %dma_wait3A = arith.constant 0 : i32
      %dma_wait3A_15 = tpu.memref_slice %arg3[%add3A, %dma_wait3A] : memref<32x10240xf32, #tpu.memory_space<hbm>> -> memref<1x10240xf32, #tpu.memory_space<hbm>>
      %dma_wait3A_16 = tpu.memref_squeeze %dma_wait3A_15 : memref<1x10240xf32, #tpu.memory_space<hbm>> -> memref<10240xf32, #tpu.memory_space<hbm>>
      %dma_wait3A_17 = arith.constant 0 : i32
      %dma_wait3A_18 = tpu.memref_slice %arg3[%add3A, %dma_wait3A_17] : memref<32x10240xf32, #tpu.memory_space<hbm>> -> memref<1x10240xf32, #tpu.memory_space<hbm>>
      %dma_wait3A_19 = tpu.memref_squeeze %dma_wait3A_18 : memref<1x10240xf32, #tpu.memory_space<hbm>> -> memref<10240xf32, #tpu.memory_space<hbm>>
      tpu.wait_dma2 semaphore(%run_scoped3A : memref<!tpu.dma_semaphore, #tpu.memory_space<semaphore_mem>>) src(%arg5 : memref<10240xf32, #tpu.memory_space<vmem>>) dst(%dma_wait3A_19 : memref<10240xf32, #tpu.memory_space<hbm>>)
      tpu.yield
    }) : () -> ()
    return
  }
}

#map = affine_map<(d0, d1) -> (0, 0, 0)>
#map1 = affine_map<(d0, d1) -> (0, 0, 0, 0)>
#map2 = affine_map<(d0, d1) -> (0, 0)>
module attributes {stable_mosaic.version = 14 : i64} {
  func.func @_sc_agg(%arg0: i32, %arg1: i32, %arg2: memref<2x10000x128xf32, #tpu.memory_space<hbm>>, %arg3: memref<16x5x25x80xi32, #tpu.memory_space<hbm>>, %arg4: memref<16x5x25x80xi32, #tpu.memory_space<hbm>>, %arg5: memref<640x128xf32, #tpu.memory_space<hbm>>, %arg6: memref<2x10240x128xf32, #tpu.memory_space<hbm>>, %arg7: memref<25x80xi32, #tpu.memory_space<vmem>>, %arg8: memref<25x80xi32, #tpu.memory_space<vmem>>, %arg9: memref<80x128xf32, #tpu.memory_space<vmem>>, %arg10: memref<80x128xf32, #tpu.memory_space<vmem>>, %arg11: memref<10240x128xf32, #tpu.memory_space<vmem_shared>>, %arg12: memref<!tpu.dma_semaphore, #tpu.memory_space<semaphore_mem>>, %arg13: memref<!tpu.dma_semaphore, #tpu.memory_space<semaphore_mem>>, %arg14: memref<!tpu.dma_semaphore, #tpu.memory_space<semaphore_mem>>, %arg15: memref<!tpu.dma_semaphore, #tpu.memory_space<semaphore_mem>>) attributes {dimension_semantics = [#tpu.dimension_semantics<core_parallel>, #tpu.dimension_semantics<subcore_parallel>], iteration_bounds = array<i64: 2, 16>, scalar_prefetch = 0 : i64, scratch_operands = 9 : i64, tpu.core_type = #tpu.core_type<sc_vector_subcore>, window_params = [{transform_indices = #map}, {transform_indices = #map1}, {transform_indices = #map1}, {transform_indices = #map2}, {transform_indices = #map}]} {
    %mul3A = arith.constant 640 : i32
    %mul3A_0 = arith.muli %arg1, %mul3A : i32
    "tpu.region"() ({
      %run_scoped3A = tpu.sem_alloc : memref<!tpu.dma_semaphore, #tpu.memory_space<semaphore_mem>>
      %dma_start3A = arith.constant 0 : i32
      %dma_start3A_8 = tpu.memref_slice %arg11[%mul3A_0, %dma_start3A] : memref<10240x128xf32, #tpu.memory_space<vmem_shared>> -> memref<640x128xf32, #tpu.memory_space<vmem_shared>>
      tpu.enqueue_dma source(%arg5 : memref<640x128xf32, #tpu.memory_space<hbm>>) target(%dma_start3A_8 : memref<640x128xf32, #tpu.memory_space<vmem_shared>>) target_semaphore(%run_scoped3A : memref<!tpu.dma_semaphore, #tpu.memory_space<semaphore_mem>>)
      %dma_wait3A = arith.constant 0 : i32
      %dma_wait3A_9 = tpu.memref_slice %arg11[%mul3A_0, %dma_wait3A] : memref<10240x128xf32, #tpu.memory_space<vmem_shared>> -> memref<640x128xf32, #tpu.memory_space<vmem_shared>>
      tpu.wait_dma2 semaphore(%run_scoped3A : memref<!tpu.dma_semaphore, #tpu.memory_space<semaphore_mem>>) src(%arg5 : memref<640x128xf32, #tpu.memory_space<hbm>>) dst(%dma_wait3A_9 : memref<640x128xf32, #tpu.memory_space<vmem_shared>>)
      tpu.yield
    }) : () -> ()
    %barrier3A = arith.constant 0 : index
    tpu.barrier barrier_id(%barrier3A)
    %scan3A = arith.constant 0 : i32
    %scan3A_1 = arith.constant 5 : i32
    %scan3A_2 = arith.addi %scan3A, %scan3A_1 : i32
    %scan3A_3 = arith.constant 1 : i32
    scf.for %scan3A_8 = %scan3A to %scan3A_2 step %scan3A_3  : i32 {
      %mul3A_9 = arith.constant 1 : i32
      %mul3A_10 = arith.muli %scan3A_8, %mul3A_9 : i32
      %add3A = arith.constant 0 : i32
      %add3A_11 = arith.addi %add3A, %mul3A_10 : i32
      "tpu.region"() ({
        %run_scoped3A = tpu.sem_alloc : memref<!tpu.dma_semaphore, #tpu.memory_space<semaphore_mem>>
        %dma_start3A_144 = arith.constant 0 : i32
        %dma_start3A_145 = arith.constant 0 : i32
        %dma_start3A_146 = arith.constant 0 : i32
        %dma_start3A_147 = tpu.memref_slice %arg3[%arg1, %dma_start3A_144, %dma_start3A_145, %dma_start3A_146] : memref<16x5x25x80xi32, #tpu.memory_space<hbm>> -> memref<1x5x25x80xi32, #tpu.memory_space<hbm>>
        %dma_start3A_148 = tpu.memref_squeeze %dma_start3A_147 : memref<1x5x25x80xi32, #tpu.memory_space<hbm>> -> memref<5x25x80xi32, #tpu.memory_space<hbm>>
        %dma_start3A_149 = arith.constant 0 : i32
        %dma_start3A_150 = arith.constant 0 : i32
        %dma_start3A_151 = tpu.memref_slice %dma_start3A_148[%add3A_11, %dma_start3A_149, %dma_start3A_150] : memref<5x25x80xi32, #tpu.memory_space<hbm>> -> memref<1x25x80xi32, #tpu.memory_space<hbm>>
        %dma_start3A_152 = tpu.memref_squeeze %dma_start3A_151 : memref<1x25x80xi32, #tpu.memory_space<hbm>> -> memref<25x80xi32, #tpu.memory_space<hbm>>
        %dma_start3A_153 = arith.constant 0 : i32
        %dma_start3A_154 = arith.constant 0 : i32
        %dma_start3A_155 = arith.constant 0 : i32
        %dma_start3A_156 = tpu.memref_slice %arg3[%arg1, %dma_start3A_153, %dma_start3A_154, %dma_start3A_155] : memref<16x5x25x80xi32, #tpu.memory_space<hbm>> -> memref<1x5x25x80xi32, #tpu.memory_space<hbm>>
        %dma_start3A_157 = tpu.memref_squeeze %dma_start3A_156 : memref<1x5x25x80xi32, #tpu.memory_space<hbm>> -> memref<5x25x80xi32, #tpu.memory_space<hbm>>
        %dma_start3A_158 = arith.constant 0 : i32
        %dma_start3A_159 = arith.constant 0 : i32
        %dma_start3A_160 = tpu.memref_slice %dma_start3A_157[%add3A_11, %dma_start3A_158, %dma_start3A_159] : memref<5x25x80xi32, #tpu.memory_space<hbm>> -> memref<1x25x80xi32, #tpu.memory_space<hbm>>
        %dma_start3A_161 = tpu.memref_squeeze %dma_start3A_160 : memref<1x25x80xi32, #tpu.memory_space<hbm>> -> memref<25x80xi32, #tpu.memory_space<hbm>>
        tpu.enqueue_dma source(%dma_start3A_161 : memref<25x80xi32, #tpu.memory_space<hbm>>) target(%arg7 : memref<25x80xi32, #tpu.memory_space<vmem>>) target_semaphore(%run_scoped3A : memref<!tpu.dma_semaphore, #tpu.memory_space<semaphore_mem>>)
        %dma_wait3A_162 = arith.constant 0 : i32
        %dma_wait3A_163 = arith.constant 0 : i32
        %dma_wait3A_164 = arith.constant 0 : i32
        %dma_wait3A_165 = tpu.memref_slice %arg3[%arg1, %dma_wait3A_162, %dma_wait3A_163, %dma_wait3A_164] : memref<16x5x25x80xi32, #tpu.memory_space<hbm>> -> memref<1x5x25x80xi32, #tpu.memory_space<hbm>>
        %dma_wait3A_166 = tpu.memref_squeeze %dma_wait3A_165 : memref<1x5x25x80xi32, #tpu.memory_space<hbm>> -> memref<5x25x80xi32, #tpu.memory_space<hbm>>
        %dma_wait3A_167 = arith.constant 0 : i32
        %dma_wait3A_168 = arith.constant 0 : i32
        %dma_wait3A_169 = tpu.memref_slice %dma_wait3A_166[%add3A_11, %dma_wait3A_167, %dma_wait3A_168] : memref<5x25x80xi32, #tpu.memory_space<hbm>> -> memref<1x25x80xi32, #tpu.memory_space<hbm>>
        %dma_wait3A_170 = tpu.memref_squeeze %dma_wait3A_169 : memref<1x25x80xi32, #tpu.memory_space<hbm>> -> memref<25x80xi32, #tpu.memory_space<hbm>>
        %dma_wait3A_171 = arith.constant 0 : i32
        %dma_wait3A_172 = arith.constant 0 : i32
        %dma_wait3A_173 = arith.constant 0 : i32
        %dma_wait3A_174 = tpu.memref_slice %arg3[%arg1, %dma_wait3A_171, %dma_wait3A_172, %dma_wait3A_173] : memref<16x5x25x80xi32, #tpu.memory_space<hbm>> -> memref<1x5x25x80xi32, #tpu.memory_space<hbm>>
        %dma_wait3A_175 = tpu.memref_squeeze %dma_wait3A_174 : memref<1x5x25x80xi32, #tpu.memory_space<hbm>> -> memref<5x25x80xi32, #tpu.memory_space<hbm>>
        %dma_wait3A_176 = arith.constant 0 : i32
        %dma_wait3A_177 = arith.constant 0 : i32
        %dma_wait3A_178 = tpu.memref_slice %dma_wait3A_175[%add3A_11, %dma_wait3A_176, %dma_wait3A_177] : memref<5x25x80xi32, #tpu.memory_space<hbm>> -> memref<1x25x80xi32, #tpu.memory_space<hbm>>
        %dma_wait3A_179 = tpu.memref_squeeze %dma_wait3A_178 : memref<1x25x80xi32, #tpu.memory_space<hbm>> -> memref<25x80xi32, #tpu.memory_space<hbm>>
        tpu.wait_dma2 semaphore(%run_scoped3A : memref<!tpu.dma_semaphore, #tpu.memory_space<semaphore_mem>>) src(%dma_wait3A_179 : memref<25x80xi32, #tpu.memory_space<hbm>>) dst(%arg7 : memref<25x80xi32, #tpu.memory_space<vmem>>)
        tpu.yield
      }) : () -> ()
      "tpu.region"() ({
        %run_scoped3A = tpu.sem_alloc : memref<!tpu.dma_semaphore, #tpu.memory_space<semaphore_mem>>
        %dma_start3A_144 = arith.constant 0 : i32
        %dma_start3A_145 = arith.constant 0 : i32
        %dma_start3A_146 = arith.constant 0 : i32
        %dma_start3A_147 = tpu.memref_slice %arg4[%arg1, %dma_start3A_144, %dma_start3A_145, %dma_start3A_146] : memref<16x5x25x80xi32, #tpu.memory_space<hbm>> -> memref<1x5x25x80xi32, #tpu.memory_space<hbm>>
        %dma_start3A_148 = tpu.memref_squeeze %dma_start3A_147 : memref<1x5x25x80xi32, #tpu.memory_space<hbm>> -> memref<5x25x80xi32, #tpu.memory_space<hbm>>
        %dma_start3A_149 = arith.constant 0 : i32
        %dma_start3A_150 = arith.constant 0 : i32
        %dma_start3A_151 = tpu.memref_slice %dma_start3A_148[%add3A_11, %dma_start3A_149, %dma_start3A_150] : memref<5x25x80xi32, #tpu.memory_space<hbm>> -> memref<1x25x80xi32, #tpu.memory_space<hbm>>
        %dma_start3A_152 = tpu.memref_squeeze %dma_start3A_151 : memref<1x25x80xi32, #tpu.memory_space<hbm>> -> memref<25x80xi32, #tpu.memory_space<hbm>>
        %dma_start3A_153 = arith.constant 0 : i32
        %dma_start3A_154 = arith.constant 0 : i32
        %dma_start3A_155 = arith.constant 0 : i32
        %dma_start3A_156 = tpu.memref_slice %arg4[%arg1, %dma_start3A_153, %dma_start3A_154, %dma_start3A_155] : memref<16x5x25x80xi32, #tpu.memory_space<hbm>> -> memref<1x5x25x80xi32, #tpu.memory_space<hbm>>
        %dma_start3A_157 = tpu.memref_squeeze %dma_start3A_156 : memref<1x5x25x80xi32, #tpu.memory_space<hbm>> -> memref<5x25x80xi32, #tpu.memory_space<hbm>>
        %dma_start3A_158 = arith.constant 0 : i32
        %dma_start3A_159 = arith.constant 0 : i32
        %dma_start3A_160 = tpu.memref_slice %dma_start3A_157[%add3A_11, %dma_start3A_158, %dma_start3A_159] : memref<5x25x80xi32, #tpu.memory_space<hbm>> -> memref<1x25x80xi32, #tpu.memory_space<hbm>>
        %dma_start3A_161 = tpu.memref_squeeze %dma_start3A_160 : memref<1x25x80xi32, #tpu.memory_space<hbm>> -> memref<25x80xi32, #tpu.memory_space<hbm>>
        tpu.enqueue_dma source(%dma_start3A_161 : memref<25x80xi32, #tpu.memory_space<hbm>>) target(%arg8 : memref<25x80xi32, #tpu.memory_space<vmem>>) target_semaphore(%run_scoped3A : memref<!tpu.dma_semaphore, #tpu.memory_space<semaphore_mem>>)
        %dma_wait3A_162 = arith.constant 0 : i32
        %dma_wait3A_163 = arith.constant 0 : i32
        %dma_wait3A_164 = arith.constant 0 : i32
        %dma_wait3A_165 = tpu.memref_slice %arg4[%arg1, %dma_wait3A_162, %dma_wait3A_163, %dma_wait3A_164] : memref<16x5x25x80xi32, #tpu.memory_space<hbm>> -> memref<1x5x25x80xi32, #tpu.memory_space<hbm>>
        %dma_wait3A_166 = tpu.memref_squeeze %dma_wait3A_165 : memref<1x5x25x80xi32, #tpu.memory_space<hbm>> -> memref<5x25x80xi32, #tpu.memory_space<hbm>>
        %dma_wait3A_167 = arith.constant 0 : i32
        %dma_wait3A_168 = arith.constant 0 : i32
        %dma_wait3A_169 = tpu.memref_slice %dma_wait3A_166[%add3A_11, %dma_wait3A_167, %dma_wait3A_168] : memref<5x25x80xi32, #tpu.memory_space<hbm>> -> memref<1x25x80xi32, #tpu.memory_space<hbm>>
        %dma_wait3A_170 = tpu.memref_squeeze %dma_wait3A_169 : memref<1x25x80xi32, #tpu.memory_space<hbm>> -> memref<25x80xi32, #tpu.memory_space<hbm>>
        %dma_wait3A_171 = arith.constant 0 : i32
        %dma_wait3A_172 = arith.constant 0 : i32
        %dma_wait3A_173 = arith.constant 0 : i32
        %dma_wait3A_174 = tpu.memref_slice %arg4[%arg1, %dma_wait3A_171, %dma_wait3A_172, %dma_wait3A_173] : memref<16x5x25x80xi32, #tpu.memory_space<hbm>> -> memref<1x5x25x80xi32, #tpu.memory_space<hbm>>
        %dma_wait3A_175 = tpu.memref_squeeze %dma_wait3A_174 : memref<1x5x25x80xi32, #tpu.memory_space<hbm>> -> memref<5x25x80xi32, #tpu.memory_space<hbm>>
        %dma_wait3A_176 = arith.constant 0 : i32
        %dma_wait3A_177 = arith.constant 0 : i32
        %dma_wait3A_178 = tpu.memref_slice %dma_wait3A_175[%add3A_11, %dma_wait3A_176, %dma_wait3A_177] : memref<5x25x80xi32, #tpu.memory_space<hbm>> -> memref<1x25x80xi32, #tpu.memory_space<hbm>>
        %dma_wait3A_179 = tpu.memref_squeeze %dma_wait3A_178 : memref<1x25x80xi32, #tpu.memory_space<hbm>> -> memref<25x80xi32, #tpu.memory_space<hbm>>
        tpu.wait_dma2 semaphore(%run_scoped3A : memref<!tpu.dma_semaphore, #tpu.memory_space<semaphore_mem>>) src(%dma_wait3A_179 : memref<25x80xi32, #tpu.memory_space<hbm>>) dst(%arg8 : memref<25x80xi32, #tpu.memory_space<vmem>>)
        tpu.yield
      }) : () -> ()
      %dma_start3A = arith.constant 0 : i32
      %dma_start3A_12 = arith.constant 0 : i32
      %dma_start3A_13 = tpu.memref_slice %arg7[%dma_start3A, %dma_start3A_12] : memref<25x80xi32, #tpu.memory_space<vmem>> -> memref<1x80xi32, #tpu.memory_space<vmem>>
      %dma_start3A_14 = tpu.memref_squeeze %dma_start3A_13 : memref<1x80xi32, #tpu.memory_space<vmem>> -> memref<80xi32, #tpu.memory_space<vmem>>
      %dma_start3A_15 = arith.constant 0 : i32
      %dma_start3A_16 = arith.constant 0 : i32
      %dma_start3A_17 = tpu.memref_slice %arg2[%arg0, %dma_start3A_15, %dma_start3A_16] : memref<2x10000x128xf32, #tpu.memory_space<hbm>> -> memref<1x10000x128xf32, #tpu.memory_space<hbm>>
      %dma_start3A_18 = tpu.memref_squeeze %dma_start3A_17 : memref<1x10000x128xf32, #tpu.memory_space<hbm>> -> memref<10000x128xf32, #tpu.memory_space<hbm>>
      %dma_start3A_19 = arith.constant 0 : i32
      %dma_start3A_20 = arith.constant 0 : i32
      %dma_start3A_21 = tpu.memref_slice %dma_start3A_18[%dma_start3A_19, %dma_start3A_20] : memref<10000x128xf32, #tpu.memory_space<hbm>> -> memref<10000x128xf32, #tpu.memory_space<hbm>>
      tpu.enqueue_indirect_dma source(%dma_start3A_21 : memref<10000x128xf32, #tpu.memory_space<hbm>>) target(%arg9 : memref<80x128xf32, #tpu.memory_space<vmem>>) offsets(%dma_start3A_14 : memref<80xi32, #tpu.memory_space<vmem>>) semaphore(%arg12 : memref<!tpu.dma_semaphore, #tpu.memory_space<semaphore_mem>>)
      %dma_wait3A = arith.constant 0 : i32
      %dma_wait3A_22 = arith.constant 0 : i32
      %dma_wait3A_23 = tpu.memref_slice %arg7[%dma_wait3A, %dma_wait3A_22] : memref<25x80xi32, #tpu.memory_space<vmem>> -> memref<1x80xi32, #tpu.memory_space<vmem>>
      %dma_wait3A_24 = tpu.memref_squeeze %dma_wait3A_23 : memref<1x80xi32, #tpu.memory_space<vmem>> -> memref<80xi32, #tpu.memory_space<vmem>>
      %dma_wait3A_25 = arith.constant 0 : i32
      %dma_wait3A_26 = arith.constant 0 : i32
      %dma_wait3A_27 = tpu.memref_slice %arg2[%arg0, %dma_wait3A_25, %dma_wait3A_26] : memref<2x10000x128xf32, #tpu.memory_space<hbm>> -> memref<1x10000x128xf32, #tpu.memory_space<hbm>>
      %dma_wait3A_28 = tpu.memref_squeeze %dma_wait3A_27 : memref<1x10000x128xf32, #tpu.memory_space<hbm>> -> memref<10000x128xf32, #tpu.memory_space<hbm>>
      %dma_wait3A_29 = arith.constant 0 : i32
      %dma_wait3A_30 = arith.constant 0 : i32
      %dma_wait3A_31 = tpu.memref_slice %dma_wait3A_28[%dma_wait3A_29, %dma_wait3A_30] : memref<10000x128xf32, #tpu.memory_space<hbm>> -> memref<10000x128xf32, #tpu.memory_space<hbm>>
      tpu.wait_indirect_dma semaphore(%arg12 : memref<!tpu.dma_semaphore, #tpu.memory_space<semaphore_mem>>) src(%dma_wait3A_31 : memref<10000x128xf32, #tpu.memory_space<hbm>>) dst(%arg9 : memref<80x128xf32, #tpu.memory_space<vmem>>)
      %dma_start3A_32 = arith.constant 0 : i32
      %dma_start3A_33 = arith.constant 0 : i32
      %dma_start3A_34 = tpu.memref_slice %arg8[%dma_start3A_32, %dma_start3A_33] : memref<25x80xi32, #tpu.memory_space<vmem>> -> memref<1x80xi32, #tpu.memory_space<vmem>>
      %dma_start3A_35 = tpu.memref_squeeze %dma_start3A_34 : memref<1x80xi32, #tpu.memory_space<vmem>> -> memref<80xi32, #tpu.memory_space<vmem>>
      %dma_start3A_36 = arith.constant 0 : i32
      %dma_start3A_37 = arith.constant 0 : i32
      %dma_start3A_38 = tpu.memref_slice %arg11[%dma_start3A_36, %dma_start3A_37] : memref<10240x128xf32, #tpu.memory_space<vmem_shared>> -> memref<10240x128xf32, #tpu.memory_space<vmem_shared>>
      tpu.enqueue_indirect_dma source(%arg9 : memref<80x128xf32, #tpu.memory_space<vmem>>) target(%dma_start3A_38 : memref<10240x128xf32, #tpu.memory_space<vmem_shared>>) offsets(%dma_start3A_35 : memref<80xi32, #tpu.memory_space<vmem>>) semaphore(%arg14 : memref<!tpu.dma_semaphore, #tpu.memory_space<semaphore_mem>>) {add = true}
      %dma_start3A_39 = arith.constant 1 : i32
      %dma_start3A_40 = arith.constant 0 : i32
      %dma_start3A_41 = tpu.memref_slice %arg7[%dma_start3A_39, %dma_start3A_40] : memref<25x80xi32, #tpu.memory_space<vmem>> -> memref<1x80xi32, #tpu.memory_space<vmem>>
      %dma_start3A_42 = tpu.memref_squeeze %dma_start3A_41 : memref<1x80xi32, #tpu.memory_space<vmem>> -> memref<80xi32, #tpu.memory_space<vmem>>
      %dma_start3A_43 = arith.constant 0 : i32
      %dma_start3A_44 = arith.constant 0 : i32
      %dma_start3A_45 = tpu.memref_slice %arg2[%arg0, %dma_start3A_43, %dma_start3A_44] : memref<2x10000x128xf32, #tpu.memory_space<hbm>> -> memref<1x10000x128xf32, #tpu.memory_space<hbm>>
      %dma_start3A_46 = tpu.memref_squeeze %dma_start3A_45 : memref<1x10000x128xf32, #tpu.memory_space<hbm>> -> memref<10000x128xf32, #tpu.memory_space<hbm>>
      %dma_start3A_47 = arith.constant 0 : i32
      %dma_start3A_48 = arith.constant 0 : i32
      %dma_start3A_49 = tpu.memref_slice %dma_start3A_46[%dma_start3A_47, %dma_start3A_48] : memref<10000x128xf32, #tpu.memory_space<hbm>> -> memref<10000x128xf32, #tpu.memory_space<hbm>>
      tpu.enqueue_indirect_dma source(%dma_start3A_49 : memref<10000x128xf32, #tpu.memory_space<hbm>>) target(%arg10 : memref<80x128xf32, #tpu.memory_space<vmem>>) offsets(%dma_start3A_42 : memref<80xi32, #tpu.memory_space<vmem>>) semaphore(%arg13 : memref<!tpu.dma_semaphore, #tpu.memory_space<semaphore_mem>>)
      %scan3A_50 = arith.constant 0 : i32
      %scan3A_51 = arith.constant 11 : i32
      %scan3A_52 = arith.addi %scan3A_50, %scan3A_51 : i32
      %scan3A_53 = arith.constant 1 : i32
      scf.for %scan3A_144 = %scan3A_50 to %scan3A_52 step %scan3A_53  : i32 {
        %mul3A_145 = arith.constant 2 : i32
        %mul3A_146 = arith.muli %scan3A_144, %mul3A_145 : i32
        %add3A_147 = arith.constant 1 : i32
        %add3A_148 = arith.addi %add3A_147, %mul3A_146 : i32
        %dma_wait3A_149 = arith.constant 0 : i32
        %dma_wait3A_150 = arith.constant 0 : i32
        %dma_wait3A_151 = tpu.memref_slice %arg7[%dma_wait3A_149, %dma_wait3A_150] : memref<25x80xi32, #tpu.memory_space<vmem>> -> memref<1x80xi32, #tpu.memory_space<vmem>>
        %dma_wait3A_152 = tpu.memref_squeeze %dma_wait3A_151 : memref<1x80xi32, #tpu.memory_space<vmem>> -> memref<80xi32, #tpu.memory_space<vmem>>
        %dma_wait3A_153 = arith.constant 0 : i32
        %dma_wait3A_154 = arith.constant 0 : i32
        %dma_wait3A_155 = tpu.memref_slice %arg2[%arg0, %dma_wait3A_153, %dma_wait3A_154] : memref<2x10000x128xf32, #tpu.memory_space<hbm>> -> memref<1x10000x128xf32, #tpu.memory_space<hbm>>
        %dma_wait3A_156 = tpu.memref_squeeze %dma_wait3A_155 : memref<1x10000x128xf32, #tpu.memory_space<hbm>> -> memref<10000x128xf32, #tpu.memory_space<hbm>>
        %dma_wait3A_157 = arith.constant 0 : i32
        %dma_wait3A_158 = arith.constant 0 : i32
        %dma_wait3A_159 = tpu.memref_slice %dma_wait3A_156[%dma_wait3A_157, %dma_wait3A_158] : memref<10000x128xf32, #tpu.memory_space<hbm>> -> memref<10000x128xf32, #tpu.memory_space<hbm>>
        tpu.wait_indirect_dma semaphore(%arg13 : memref<!tpu.dma_semaphore, #tpu.memory_space<semaphore_mem>>) src(%dma_wait3A_159 : memref<10000x128xf32, #tpu.memory_space<hbm>>) dst(%arg10 : memref<80x128xf32, #tpu.memory_space<vmem>>)
        %dma_start3A_160 = arith.constant 0 : i32
        %dma_start3A_161 = tpu.memref_slice %arg8[%add3A_148, %dma_start3A_160] : memref<25x80xi32, #tpu.memory_space<vmem>> -> memref<1x80xi32, #tpu.memory_space<vmem>>
        %dma_start3A_162 = tpu.memref_squeeze %dma_start3A_161 : memref<1x80xi32, #tpu.memory_space<vmem>> -> memref<80xi32, #tpu.memory_space<vmem>>
        %dma_start3A_163 = arith.constant 0 : i32
        %dma_start3A_164 = arith.constant 0 : i32
        %dma_start3A_165 = tpu.memref_slice %arg11[%dma_start3A_163, %dma_start3A_164] : memref<10240x128xf32, #tpu.memory_space<vmem_shared>> -> memref<10240x128xf32, #tpu.memory_space<vmem_shared>>
        tpu.enqueue_indirect_dma source(%arg10 : memref<80x128xf32, #tpu.memory_space<vmem>>) target(%dma_start3A_165 : memref<10240x128xf32, #tpu.memory_space<vmem_shared>>) offsets(%dma_start3A_162 : memref<80xi32, #tpu.memory_space<vmem>>) semaphore(%arg15 : memref<!tpu.dma_semaphore, #tpu.memory_space<semaphore_mem>>) {add = true}
        %dma_wait3A_166 = arith.constant 0 : i32
        %dma_wait3A_167 = arith.constant 0 : i32
        %dma_wait3A_168 = tpu.memref_slice %arg2[%arg0, %dma_wait3A_166, %dma_wait3A_167] : memref<2x10000x128xf32, #tpu.memory_space<hbm>> -> memref<1x10000x128xf32, #tpu.memory_space<hbm>>
        %dma_wait3A_169 = tpu.memref_squeeze %dma_wait3A_168 : memref<1x10000x128xf32, #tpu.memory_space<hbm>> -> memref<10000x128xf32, #tpu.memory_space<hbm>>
        %dma_wait3A_170 = arith.constant 0 : i32
        %dma_wait3A_171 = arith.constant 0 : i32
        %dma_wait3A_172 = tpu.memref_slice %dma_wait3A_169[%dma_wait3A_170, %dma_wait3A_171] : memref<10000x128xf32, #tpu.memory_space<hbm>> -> memref<80x128xf32, #tpu.memory_space<hbm>>
        %dma_wait3A_173 = arith.constant 0 : i32
        %dma_wait3A_174 = arith.constant 0 : i32
        %dma_wait3A_175 = tpu.memref_slice %arg2[%arg0, %dma_wait3A_173, %dma_wait3A_174] : memref<2x10000x128xf32, #tpu.memory_space<hbm>> -> memref<1x10000x128xf32, #tpu.memory_space<hbm>>
        %dma_wait3A_176 = tpu.memref_squeeze %dma_wait3A_175 : memref<1x10000x128xf32, #tpu.memory_space<hbm>> -> memref<10000x128xf32, #tpu.memory_space<hbm>>
        %dma_wait3A_177 = arith.constant 0 : i32
        %dma_wait3A_178 = arith.constant 0 : i32
        %dma_wait3A_179 = tpu.memref_slice %dma_wait3A_176[%dma_wait3A_177, %dma_wait3A_178] : memref<10000x128xf32, #tpu.memory_space<hbm>> -> memref<80x128xf32, #tpu.memory_space<hbm>>
        tpu.wait_dma2 semaphore(%arg14 : memref<!tpu.dma_semaphore, #tpu.memory_space<semaphore_mem>>) src(%dma_wait3A_179 : memref<80x128xf32, #tpu.memory_space<hbm>>) dst(%arg9 : memref<80x128xf32, #tpu.memory_space<vmem>>)
        %add3A_180 = arith.constant 1 : i32
        %add3A_181 = arith.addi %add3A_148, %add3A_180 : i32
        %dma_start3A_182 = arith.constant 0 : i32
        %dma_start3A_183 = tpu.memref_slice %arg7[%add3A_181, %dma_start3A_182] : memref<25x80xi32, #tpu.memory_space<vmem>> -> memref<1x80xi32, #tpu.memory_space<vmem>>
        %dma_start3A_184 = tpu.memref_squeeze %dma_start3A_183 : memref<1x80xi32, #tpu.memory_space<vmem>> -> memref<80xi32, #tpu.memory_space<vmem>>
        %dma_start3A_185 = arith.constant 0 : i32
        %dma_start3A_186 = arith.constant 0 : i32
        %dma_start3A_187 = tpu.memref_slice %arg2[%arg0, %dma_start3A_185, %dma_start3A_186] : memref<2x10000x128xf32, #tpu.memory_space<hbm>> -> memref<1x10000x128xf32, #tpu.memory_space<hbm>>
        %dma_start3A_188 = tpu.memref_squeeze %dma_start3A_187 : memref<1x10000x128xf32, #tpu.memory_space<hbm>> -> memref<10000x128xf32, #tpu.memory_space<hbm>>
        %dma_start3A_189 = arith.constant 0 : i32
        %dma_start3A_190 = arith.constant 0 : i32
        %dma_start3A_191 = tpu.memref_slice %dma_start3A_188[%dma_start3A_189, %dma_start3A_190] : memref<10000x128xf32, #tpu.memory_space<hbm>> -> memref<10000x128xf32, #tpu.memory_space<hbm>>
        tpu.enqueue_indirect_dma source(%dma_start3A_191 : memref<10000x128xf32, #tpu.memory_space<hbm>>) target(%arg9 : memref<80x128xf32, #tpu.memory_space<vmem>>) offsets(%dma_start3A_184 : memref<80xi32, #tpu.memory_space<vmem>>) semaphore(%arg12 : memref<!tpu.dma_semaphore, #tpu.memory_space<semaphore_mem>>)
        %dma_wait3A_192 = arith.constant 0 : i32
        %dma_wait3A_193 = arith.constant 0 : i32
        %dma_wait3A_194 = tpu.memref_slice %arg7[%dma_wait3A_192, %dma_wait3A_193] : memref<25x80xi32, #tpu.memory_space<vmem>> -> memref<1x80xi32, #tpu.memory_space<vmem>>
        %dma_wait3A_195 = tpu.memref_squeeze %dma_wait3A_194 : memref<1x80xi32, #tpu.memory_space<vmem>> -> memref<80xi32, #tpu.memory_space<vmem>>
        %dma_wait3A_196 = arith.constant 0 : i32
        %dma_wait3A_197 = arith.constant 0 : i32
        %dma_wait3A_198 = tpu.memref_slice %arg2[%arg0, %dma_wait3A_196, %dma_wait3A_197] : memref<2x10000x128xf32, #tpu.memory_space<hbm>> -> memref<1x10000x128xf32, #tpu.memory_space<hbm>>
        %dma_wait3A_199 = tpu.memref_squeeze %dma_wait3A_198 : memref<1x10000x128xf32, #tpu.memory_space<hbm>> -> memref<10000x128xf32, #tpu.memory_space<hbm>>
        %dma_wait3A_200 = arith.constant 0 : i32
        %dma_wait3A_201 = arith.constant 0 : i32
        %dma_wait3A_202 = tpu.memref_slice %dma_wait3A_199[%dma_wait3A_200, %dma_wait3A_201] : memref<10000x128xf32, #tpu.memory_space<hbm>> -> memref<10000x128xf32, #tpu.memory_space<hbm>>
        tpu.wait_indirect_dma semaphore(%arg12 : memref<!tpu.dma_semaphore, #tpu.memory_space<semaphore_mem>>) src(%dma_wait3A_202 : memref<10000x128xf32, #tpu.memory_space<hbm>>) dst(%arg9 : memref<80x128xf32, #tpu.memory_space<vmem>>)
        %add3A_203 = arith.constant 1 : i32
        %add3A_204 = arith.addi %add3A_148, %add3A_203 : i32
        %dma_start3A_205 = arith.constant 0 : i32
        %dma_start3A_206 = tpu.memref_slice %arg8[%add3A_204, %dma_start3A_205] : memref<25x80xi32, #tpu.memory_space<vmem>> -> memref<1x80xi32, #tpu.memory_space<vmem>>
        %dma_start3A_207 = tpu.memref_squeeze %dma_start3A_206 : memref<1x80xi32, #tpu.memory_space<vmem>> -> memref<80xi32, #tpu.memory_space<vmem>>
        %dma_start3A_208 = arith.constant 0 : i32
        %dma_start3A_209 = arith.constant 0 : i32
        %dma_start3A_210 = tpu.memref_slice %arg11[%dma_start3A_208, %dma_start3A_209] : memref<10240x128xf32, #tpu.memory_space<vmem_shared>> -> memref<10240x128xf32, #tpu.memory_space<vmem_shared>>
        tpu.enqueue_indirect_dma source(%arg9 : memref<80x128xf32, #tpu.memory_space<vmem>>) target(%dma_start3A_210 : memref<10240x128xf32, #tpu.memory_space<vmem_shared>>) offsets(%dma_start3A_207 : memref<80xi32, #tpu.memory_space<vmem>>) semaphore(%arg14 : memref<!tpu.dma_semaphore, #tpu.memory_space<semaphore_mem>>) {add = true}
        %dma_wait3A_211 = arith.constant 0 : i32
        %dma_wait3A_212 = arith.constant 0 : i32
        %dma_wait3A_213 = tpu.memref_slice %arg2[%arg0, %dma_wait3A_211, %dma_wait3A_212] : memref<2x10000x128xf32, #tpu.memory_space<hbm>> -> memref<1x10000x128xf32, #tpu.memory_space<hbm>>
        %dma_wait3A_214 = tpu.memref_squeeze %dma_wait3A_213 : memref<1x10000x128xf32, #tpu.memory_space<hbm>> -> memref<10000x128xf32, #tpu.memory_space<hbm>>
        %dma_wait3A_215 = arith.constant 0 : i32
        %dma_wait3A_216 = arith.constant 0 : i32
        %dma_wait3A_217 = tpu.memref_slice %dma_wait3A_214[%dma_wait3A_215, %dma_wait3A_216] : memref<10000x128xf32, #tpu.memory_space<hbm>> -> memref<80x128xf32, #tpu.memory_space<hbm>>
        %dma_wait3A_218 = arith.constant 0 : i32
        %dma_wait3A_219 = arith.constant 0 : i32
        %dma_wait3A_220 = tpu.memref_slice %arg2[%arg0, %dma_wait3A_218, %dma_wait3A_219] : memref<2x10000x128xf32, #tpu.memory_space<hbm>> -> memref<1x10000x128xf32, #tpu.memory_space<hbm>>
        %dma_wait3A_221 = tpu.memref_squeeze %dma_wait3A_220 : memref<1x10000x128xf32, #tpu.memory_space<hbm>> -> memref<10000x128xf32, #tpu.memory_space<hbm>>
        %dma_wait3A_222 = arith.constant 0 : i32
        %dma_wait3A_223 = arith.constant 0 : i32
        %dma_wait3A_224 = tpu.memref_slice %dma_wait3A_221[%dma_wait3A_222, %dma_wait3A_223] : memref<10000x128xf32, #tpu.memory_space<hbm>> -> memref<80x128xf32, #tpu.memory_space<hbm>>
        tpu.wait_dma2 semaphore(%arg15 : memref<!tpu.dma_semaphore, #tpu.memory_space<semaphore_mem>>) src(%dma_wait3A_224 : memref<80x128xf32, #tpu.memory_space<hbm>>) dst(%arg10 : memref<80x128xf32, #tpu.memory_space<vmem>>)
        %add3A_225 = arith.constant 2 : i32
        %add3A_226 = arith.addi %add3A_148, %add3A_225 : i32
        %dma_start3A_227 = arith.constant 0 : i32
        %dma_start3A_228 = tpu.memref_slice %arg7[%add3A_226, %dma_start3A_227] : memref<25x80xi32, #tpu.memory_space<vmem>> -> memref<1x80xi32, #tpu.memory_space<vmem>>
        %dma_start3A_229 = tpu.memref_squeeze %dma_start3A_228 : memref<1x80xi32, #tpu.memory_space<vmem>> -> memref<80xi32, #tpu.memory_space<vmem>>
        %dma_start3A_230 = arith.constant 0 : i32
        %dma_start3A_231 = arith.constant 0 : i32
        %dma_start3A_232 = tpu.memref_slice %arg2[%arg0, %dma_start3A_230, %dma_start3A_231] : memref<2x10000x128xf32, #tpu.memory_space<hbm>> -> memref<1x10000x128xf32, #tpu.memory_space<hbm>>
        %dma_start3A_233 = tpu.memref_squeeze %dma_start3A_232 : memref<1x10000x128xf32, #tpu.memory_space<hbm>> -> memref<10000x128xf32, #tpu.memory_space<hbm>>
        %dma_start3A_234 = arith.constant 0 : i32
        %dma_start3A_235 = arith.constant 0 : i32
        %dma_start3A_236 = tpu.memref_slice %dma_start3A_233[%dma_start3A_234, %dma_start3A_235] : memref<10000x128xf32, #tpu.memory_space<hbm>> -> memref<10000x128xf32, #tpu.memory_space<hbm>>
        tpu.enqueue_indirect_dma source(%dma_start3A_236 : memref<10000x128xf32, #tpu.memory_space<hbm>>) target(%arg10 : memref<80x128xf32, #tpu.memory_space<vmem>>) offsets(%dma_start3A_229 : memref<80xi32, #tpu.memory_space<vmem>>) semaphore(%arg13 : memref<!tpu.dma_semaphore, #tpu.memory_space<semaphore_mem>>)
      }
      %scan3A_54 = arith.constant 11 : i32
      %dma_wait3A_55 = arith.constant 0 : i32
      %dma_wait3A_56 = arith.constant 0 : i32
      %dma_wait3A_57 = tpu.memref_slice %arg7[%dma_wait3A_55, %dma_wait3A_56] : memref<25x80xi32, #tpu.memory_space<vmem>> -> memref<1x80xi32, #tpu.memory_space<vmem>>
      %dma_wait3A_58 = tpu.memref_squeeze %dma_wait3A_57 : memref<1x80xi32, #tpu.memory_space<vmem>> -> memref<80xi32, #tpu.memory_space<vmem>>
      %dma_wait3A_59 = arith.constant 0 : i32
      %dma_wait3A_60 = arith.constant 0 : i32
      %dma_wait3A_61 = tpu.memref_slice %arg2[%arg0, %dma_wait3A_59, %dma_wait3A_60] : memref<2x10000x128xf32, #tpu.memory_space<hbm>> -> memref<1x10000x128xf32, #tpu.memory_space<hbm>>
      %dma_wait3A_62 = tpu.memref_squeeze %dma_wait3A_61 : memref<1x10000x128xf32, #tpu.memory_space<hbm>> -> memref<10000x128xf32, #tpu.memory_space<hbm>>
      %dma_wait3A_63 = arith.constant 0 : i32
      %dma_wait3A_64 = arith.constant 0 : i32
      %dma_wait3A_65 = tpu.memref_slice %dma_wait3A_62[%dma_wait3A_63, %dma_wait3A_64] : memref<10000x128xf32, #tpu.memory_space<hbm>> -> memref<10000x128xf32, #tpu.memory_space<hbm>>
      tpu.wait_indirect_dma semaphore(%arg13 : memref<!tpu.dma_semaphore, #tpu.memory_space<semaphore_mem>>) src(%dma_wait3A_65 : memref<10000x128xf32, #tpu.memory_space<hbm>>) dst(%arg10 : memref<80x128xf32, #tpu.memory_space<vmem>>)
      %dma_start3A_66 = arith.constant 23 : i32
      %dma_start3A_67 = arith.constant 0 : i32
      %dma_start3A_68 = tpu.memref_slice %arg8[%dma_start3A_66, %dma_start3A_67] : memref<25x80xi32, #tpu.memory_space<vmem>> -> memref<1x80xi32, #tpu.memory_space<vmem>>
      %dma_start3A_69 = tpu.memref_squeeze %dma_start3A_68 : memref<1x80xi32, #tpu.memory_space<vmem>> -> memref<80xi32, #tpu.memory_space<vmem>>
      %dma_start3A_70 = arith.constant 0 : i32
      %dma_start3A_71 = arith.constant 0 : i32
      %dma_start3A_72 = tpu.memref_slice %arg11[%dma_start3A_70, %dma_start3A_71] : memref<10240x128xf32, #tpu.memory_space<vmem_shared>> -> memref<10240x128xf32, #tpu.memory_space<vmem_shared>>
      tpu.enqueue_indirect_dma source(%arg10 : memref<80x128xf32, #tpu.memory_space<vmem>>) target(%dma_start3A_72 : memref<10240x128xf32, #tpu.memory_space<vmem_shared>>) offsets(%dma_start3A_69 : memref<80xi32, #tpu.memory_space<vmem>>) semaphore(%arg15 : memref<!tpu.dma_semaphore, #tpu.memory_space<semaphore_mem>>) {add = true}
      %dma_wait3A_73 = arith.constant 0 : i32
      %dma_wait3A_74 = arith.constant 0 : i32
      %dma_wait3A_75 = tpu.memref_slice %arg2[%arg0, %dma_wait3A_73, %dma_wait3A_74] : memref<2x10000x128xf32, #tpu.memory_space<hbm>> -> memref<1x10000x128xf32, #tpu.memory_space<hbm>>
      %dma_wait3A_76 = tpu.memref_squeeze %dma_wait3A_75 : memref<1x10000x128xf32, #tpu.memory_space<hbm>> -> memref<10000x128xf32, #tpu.memory_space<hbm>>
      %dma_wait3A_77 = arith.constant 0 : i32
      %dma_wait3A_78 = arith.constant 0 : i32
      %dma_wait3A_79 = tpu.memref_slice %dma_wait3A_76[%dma_wait3A_77, %dma_wait3A_78] : memref<10000x128xf32, #tpu.memory_space<hbm>> -> memref<80x128xf32, #tpu.memory_space<hbm>>
      %dma_wait3A_80 = arith.constant 0 : i32
      %dma_wait3A_81 = arith.constant 0 : i32
      %dma_wait3A_82 = tpu.memref_slice %arg2[%arg0, %dma_wait3A_80, %dma_wait3A_81] : memref<2x10000x128xf32, #tpu.memory_space<hbm>> -> memref<1x10000x128xf32, #tpu.memory_space<hbm>>
      %dma_wait3A_83 = tpu.memref_squeeze %dma_wait3A_82 : memref<1x10000x128xf32, #tpu.memory_space<hbm>> -> memref<10000x128xf32, #tpu.memory_space<hbm>>
      %dma_wait3A_84 = arith.constant 0 : i32
      %dma_wait3A_85 = arith.constant 0 : i32
      %dma_wait3A_86 = tpu.memref_slice %dma_wait3A_83[%dma_wait3A_84, %dma_wait3A_85] : memref<10000x128xf32, #tpu.memory_space<hbm>> -> memref<80x128xf32, #tpu.memory_space<hbm>>
      tpu.wait_dma2 semaphore(%arg14 : memref<!tpu.dma_semaphore, #tpu.memory_space<semaphore_mem>>) src(%dma_wait3A_86 : memref<80x128xf32, #tpu.memory_space<hbm>>) dst(%arg9 : memref<80x128xf32, #tpu.memory_space<vmem>>)
      %dma_start3A_87 = arith.constant 24 : i32
      %dma_start3A_88 = arith.constant 0 : i32
      %dma_start3A_89 = tpu.memref_slice %arg7[%dma_start3A_87, %dma_start3A_88] : memref<25x80xi32, #tpu.memory_space<vmem>> -> memref<1x80xi32, #tpu.memory_space<vmem>>
      %dma_start3A_90 = tpu.memref_squeeze %dma_start3A_89 : memref<1x80xi32, #tpu.memory_space<vmem>> -> memref<80xi32, #tpu.memory_space<vmem>>
      %dma_start3A_91 = arith.constant 0 : i32
      %dma_start3A_92 = arith.constant 0 : i32
      %dma_start3A_93 = tpu.memref_slice %arg2[%arg0, %dma_start3A_91, %dma_start3A_92] : memref<2x10000x128xf32, #tpu.memory_space<hbm>> -> memref<1x10000x128xf32, #tpu.memory_space<hbm>>
      %dma_start3A_94 = tpu.memref_squeeze %dma_start3A_93 : memref<1x10000x128xf32, #tpu.memory_space<hbm>> -> memref<10000x128xf32, #tpu.memory_space<hbm>>
      %dma_start3A_95 = arith.constant 0 : i32
      %dma_start3A_96 = arith.constant 0 : i32
      %dma_start3A_97 = tpu.memref_slice %dma_start3A_94[%dma_start3A_95, %dma_start3A_96] : memref<10000x128xf32, #tpu.memory_space<hbm>> -> memref<10000x128xf32, #tpu.memory_space<hbm>>
      tpu.enqueue_indirect_dma source(%dma_start3A_97 : memref<10000x128xf32, #tpu.memory_space<hbm>>) target(%arg9 : memref<80x128xf32, #tpu.memory_space<vmem>>) offsets(%dma_start3A_90 : memref<80xi32, #tpu.memory_space<vmem>>) semaphore(%arg12 : memref<!tpu.dma_semaphore, #tpu.memory_space<semaphore_mem>>)
      %dma_wait3A_98 = arith.constant 0 : i32
      %dma_wait3A_99 = arith.constant 0 : i32
      %dma_wait3A_100 = tpu.memref_slice %arg7[%dma_wait3A_98, %dma_wait3A_99] : memref<25x80xi32, #tpu.memory_space<vmem>> -> memref<1x80xi32, #tpu.memory_space<vmem>>
      %dma_wait3A_101 = tpu.memref_squeeze %dma_wait3A_100 : memref<1x80xi32, #tpu.memory_space<vmem>> -> memref<80xi32, #tpu.memory_space<vmem>>
      %dma_wait3A_102 = arith.constant 0 : i32
      %dma_wait3A_103 = arith.constant 0 : i32
      %dma_wait3A_104 = tpu.memref_slice %arg2[%arg0, %dma_wait3A_102, %dma_wait3A_103] : memref<2x10000x128xf32, #tpu.memory_space<hbm>> -> memref<1x10000x128xf32, #tpu.memory_space<hbm>>
      %dma_wait3A_105 = tpu.memref_squeeze %dma_wait3A_104 : memref<1x10000x128xf32, #tpu.memory_space<hbm>> -> memref<10000x128xf32, #tpu.memory_space<hbm>>
      %dma_wait3A_106 = arith.constant 0 : i32
      %dma_wait3A_107 = arith.constant 0 : i32
      %dma_wait3A_108 = tpu.memref_slice %dma_wait3A_105[%dma_wait3A_106, %dma_wait3A_107] : memref<10000x128xf32, #tpu.memory_space<hbm>> -> memref<10000x128xf32, #tpu.memory_space<hbm>>
      tpu.wait_indirect_dma semaphore(%arg12 : memref<!tpu.dma_semaphore, #tpu.memory_space<semaphore_mem>>) src(%dma_wait3A_108 : memref<10000x128xf32, #tpu.memory_space<hbm>>) dst(%arg9 : memref<80x128xf32, #tpu.memory_space<vmem>>)
      %dma_start3A_109 = arith.constant 24 : i32
      %dma_start3A_110 = arith.constant 0 : i32
      %dma_start3A_111 = tpu.memref_slice %arg8[%dma_start3A_109, %dma_start3A_110] : memref<25x80xi32, #tpu.memory_space<vmem>> -> memref<1x80xi32, #tpu.memory_space<vmem>>
      %dma_start3A_112 = tpu.memref_squeeze %dma_start3A_111 : memref<1x80xi32, #tpu.memory_space<vmem>> -> memref<80xi32, #tpu.memory_space<vmem>>
      %dma_start3A_113 = arith.constant 0 : i32
      %dma_start3A_114 = arith.constant 0 : i32
      %dma_start3A_115 = tpu.memref_slice %arg11[%dma_start3A_113, %dma_start3A_114] : memref<10240x128xf32, #tpu.memory_space<vmem_shared>> -> memref<10240x128xf32, #tpu.memory_space<vmem_shared>>
      tpu.enqueue_indirect_dma source(%arg9 : memref<80x128xf32, #tpu.memory_space<vmem>>) target(%dma_start3A_115 : memref<10240x128xf32, #tpu.memory_space<vmem_shared>>) offsets(%dma_start3A_112 : memref<80xi32, #tpu.memory_space<vmem>>) semaphore(%arg14 : memref<!tpu.dma_semaphore, #tpu.memory_space<semaphore_mem>>) {add = true}
      %dma_wait3A_116 = arith.constant 0 : i32
      %dma_wait3A_117 = arith.constant 0 : i32
      %dma_wait3A_118 = tpu.memref_slice %arg2[%arg0, %dma_wait3A_116, %dma_wait3A_117] : memref<2x10000x128xf32, #tpu.memory_space<hbm>> -> memref<1x10000x128xf32, #tpu.memory_space<hbm>>
      %dma_wait3A_119 = tpu.memref_squeeze %dma_wait3A_118 : memref<1x10000x128xf32, #tpu.memory_space<hbm>> -> memref<10000x128xf32, #tpu.memory_space<hbm>>
      %dma_wait3A_120 = arith.constant 0 : i32
      %dma_wait3A_121 = arith.constant 0 : i32
      %dma_wait3A_122 = tpu.memref_slice %dma_wait3A_119[%dma_wait3A_120, %dma_wait3A_121] : memref<10000x128xf32, #tpu.memory_space<hbm>> -> memref<80x128xf32, #tpu.memory_space<hbm>>
      %dma_wait3A_123 = arith.constant 0 : i32
      %dma_wait3A_124 = arith.constant 0 : i32
      %dma_wait3A_125 = tpu.memref_slice %arg2[%arg0, %dma_wait3A_123, %dma_wait3A_124] : memref<2x10000x128xf32, #tpu.memory_space<hbm>> -> memref<1x10000x128xf32, #tpu.memory_space<hbm>>
      %dma_wait3A_126 = tpu.memref_squeeze %dma_wait3A_125 : memref<1x10000x128xf32, #tpu.memory_space<hbm>> -> memref<10000x128xf32, #tpu.memory_space<hbm>>
      %dma_wait3A_127 = arith.constant 0 : i32
      %dma_wait3A_128 = arith.constant 0 : i32
      %dma_wait3A_129 = tpu.memref_slice %dma_wait3A_126[%dma_wait3A_127, %dma_wait3A_128] : memref<10000x128xf32, #tpu.memory_space<hbm>> -> memref<80x128xf32, #tpu.memory_space<hbm>>
      tpu.wait_dma2 semaphore(%arg15 : memref<!tpu.dma_semaphore, #tpu.memory_space<semaphore_mem>>) src(%dma_wait3A_129 : memref<80x128xf32, #tpu.memory_space<hbm>>) dst(%arg10 : memref<80x128xf32, #tpu.memory_space<vmem>>)
      %dma_wait3A_130 = arith.constant 0 : i32
      %dma_wait3A_131 = arith.constant 0 : i32
      %dma_wait3A_132 = tpu.memref_slice %arg2[%arg0, %dma_wait3A_130, %dma_wait3A_131] : memref<2x10000x128xf32, #tpu.memory_space<hbm>> -> memref<1x10000x128xf32, #tpu.memory_space<hbm>>
      %dma_wait3A_133 = tpu.memref_squeeze %dma_wait3A_132 : memref<1x10000x128xf32, #tpu.memory_space<hbm>> -> memref<10000x128xf32, #tpu.memory_space<hbm>>
      %dma_wait3A_134 = arith.constant 0 : i32
      %dma_wait3A_135 = arith.constant 0 : i32
      %dma_wait3A_136 = tpu.memref_slice %dma_wait3A_133[%dma_wait3A_134, %dma_wait3A_135] : memref<10000x128xf32, #tpu.memory_space<hbm>> -> memref<80x128xf32, #tpu.memory_space<hbm>>
      %dma_wait3A_137 = arith.constant 0 : i32
      %dma_wait3A_138 = arith.constant 0 : i32
      %dma_wait3A_139 = tpu.memref_slice %arg2[%arg0, %dma_wait3A_137, %dma_wait3A_138] : memref<2x10000x128xf32, #tpu.memory_space<hbm>> -> memref<1x10000x128xf32, #tpu.memory_space<hbm>>
      %dma_wait3A_140 = tpu.memref_squeeze %dma_wait3A_139 : memref<1x10000x128xf32, #tpu.memory_space<hbm>> -> memref<10000x128xf32, #tpu.memory_space<hbm>>
      %dma_wait3A_141 = arith.constant 0 : i32
      %dma_wait3A_142 = arith.constant 0 : i32
      %dma_wait3A_143 = tpu.memref_slice %dma_wait3A_140[%dma_wait3A_141, %dma_wait3A_142] : memref<10000x128xf32, #tpu.memory_space<hbm>> -> memref<80x128xf32, #tpu.memory_space<hbm>>
      tpu.wait_dma2 semaphore(%arg14 : memref<!tpu.dma_semaphore, #tpu.memory_space<semaphore_mem>>) src(%dma_wait3A_143 : memref<80x128xf32, #tpu.memory_space<hbm>>) dst(%arg9 : memref<80x128xf32, #tpu.memory_space<vmem>>)
    }
    %scan3A_4 = arith.constant 5 : i32
    %barrier3A_5 = arith.constant 0 : index
    tpu.barrier barrier_id(%barrier3A_5)
    %mul3A_6 = arith.constant 640 : i32
    %mul3A_7 = arith.muli %arg1, %mul3A_6 : i32
    "tpu.region"() ({
      %run_scoped3A = tpu.sem_alloc : memref<!tpu.dma_semaphore, #tpu.memory_space<semaphore_mem>>
      %dma_start3A = arith.constant 0 : i32
      %dma_start3A_8 = arith.constant 0 : i32
      %dma_start3A_9 = tpu.memref_slice %arg6[%arg0, %dma_start3A, %dma_start3A_8] : memref<2x10240x128xf32, #tpu.memory_space<hbm>> -> memref<1x10240x128xf32, #tpu.memory_space<hbm>>
      %dma_start3A_10 = tpu.memref_squeeze %dma_start3A_9 : memref<1x10240x128xf32, #tpu.memory_space<hbm>> -> memref<10240x128xf32, #tpu.memory_space<hbm>>
      %dma_start3A_11 = arith.constant 0 : i32
      %dma_start3A_12 = tpu.memref_slice %dma_start3A_10[%mul3A_7, %dma_start3A_11] : memref<10240x128xf32, #tpu.memory_space<hbm>> -> memref<640x128xf32, #tpu.memory_space<hbm>>
      %dma_start3A_13 = arith.constant 0 : i32
      %dma_start3A_14 = tpu.memref_slice %arg11[%mul3A_7, %dma_start3A_13] : memref<10240x128xf32, #tpu.memory_space<vmem_shared>> -> memref<640x128xf32, #tpu.memory_space<vmem_shared>>
      tpu.enqueue_dma source(%dma_start3A_14 : memref<640x128xf32, #tpu.memory_space<vmem_shared>>) target(%dma_start3A_12 : memref<640x128xf32, #tpu.memory_space<hbm>>) target_semaphore(%run_scoped3A : memref<!tpu.dma_semaphore, #tpu.memory_space<semaphore_mem>>)
      %dma_wait3A = arith.constant 0 : i32
      %dma_wait3A_15 = arith.constant 0 : i32
      %dma_wait3A_16 = tpu.memref_slice %arg6[%arg0, %dma_wait3A, %dma_wait3A_15] : memref<2x10240x128xf32, #tpu.memory_space<hbm>> -> memref<1x10240x128xf32, #tpu.memory_space<hbm>>
      %dma_wait3A_17 = tpu.memref_squeeze %dma_wait3A_16 : memref<1x10240x128xf32, #tpu.memory_space<hbm>> -> memref<10240x128xf32, #tpu.memory_space<hbm>>
      %dma_wait3A_18 = arith.constant 0 : i32
      %dma_wait3A_19 = tpu.memref_slice %dma_wait3A_17[%mul3A_7, %dma_wait3A_18] : memref<10240x128xf32, #tpu.memory_space<hbm>> -> memref<640x128xf32, #tpu.memory_space<hbm>>
      %dma_wait3A_20 = arith.constant 0 : i32
      %dma_wait3A_21 = tpu.memref_slice %arg11[%mul3A_7, %dma_wait3A_20] : memref<10240x128xf32, #tpu.memory_space<vmem_shared>> -> memref<640x128xf32, #tpu.memory_space<vmem_shared>>
      tpu.wait_dma2 semaphore(%run_scoped3A : memref<!tpu.dma_semaphore, #tpu.memory_space<semaphore_mem>>) src(%dma_wait3A_21 : memref<640x128xf32, #tpu.memory_space<vmem_shared>>) dst(%dma_wait3A_19 : memref<640x128xf32, #tpu.memory_space<hbm>>)
      tpu.yield
    }) : () -> ()
    return
  }
}

module attributes {stable_mosaic.version = 14 : i64} {
  func.func @tc_body(%arg0: i32, %arg1: memref<1024x256xf32, #tpu.memory_space<vmem>>, %arg2: memref<256x256xf32, #tpu.memory_space<vmem>>, %arg3: memref<256x256xf32, #tpu.memory_space<vmem>>, %arg4: memref<1x256xf32, #tpu.memory_space<vmem>>, %arg5: memref<2x1024x128xf32, #tpu.memory_space<vmem>>, %arg6: memref<1024x256xf32, #tpu.memory_space<vmem>>) attributes {dimension_semantics = [#tpu.dimension_semantics<arbitrary>], iteration_bounds = array<i64: 10>, scalar_prefetch = 0 : i64, scratch_operands = 0 : i64, tpu.core_type = #tpu.core_type<tc>, window_params = [{transform_indices = @transform_0, window_bounds = array<i64: 1024, 256>}, {pipeline_mode = #tpu.pipeline_mode<synchronous>, transform_indices = @transform_1, window_bounds = array<i64: 256, 256>}, {pipeline_mode = #tpu.pipeline_mode<synchronous>, transform_indices = @transform_2, window_bounds = array<i64: 256, 256>}, {pipeline_mode = #tpu.pipeline_mode<synchronous>, transform_indices = @transform_3, window_bounds = array<i64: 1, 256>}, {transform_indices = @transform_4, window_bounds = array<i64: 2, 1024, 128>}, {transform_indices = @transform_5, window_bounds = array<i64: 1024, 256>}]} {
    %get3A = arith.constant 0 : index
    %get3A_0 = arith.constant 0 : index
    %get3A_1 = vector.load %arg1[%get3A, %get3A_0] : memref<1024x256xf32, #tpu.memory_space<vmem>>, vector<1024x256xf32>
    %get3A_2 = arith.constant 0 : index
    %get3A_3 = arith.constant 0 : index
    %get3A_4 = vector.load %arg2[%get3A_2, %get3A_3] : memref<256x256xf32, #tpu.memory_space<vmem>>, vector<256x256xf32>
    %dot_general3A = arith.constant dense<0.000000e+00> : vector<1024x256xf32>
    %dot_general3A_5 = tpu.matmul %get3A_1, %get3A_4, %dot_general3A {dimension_numbers = #tpu.dot_dimension_numbers<[1], [0], [0], [1], [0, 0, 1, 1], [], []>, transpose_lhs_hint = false} : vector<1024x256xf32>, vector<256x256xf32>, vector<1024x256xf32> -> vector<1024x256xf32>
    %slice3A = vector.extract_strided_slice %dot_general3A_5 {offsets = [0, 0], sizes = [1024, 128], strides = [1, 1]} : vector<1024x256xf32> to vector<1024x128xf32>
    %swap3A = arith.constant 0 : index
    %swap3A_6 = arith.constant 0 : index
    %swap3A_7 = arith.constant 0 : index
    %swap3A_8 = vector.load %arg5[%swap3A, %swap3A_6, %swap3A_7] : memref<2x1024x128xf32, #tpu.memory_space<vmem>>, vector<1x1024x128xf32>
    %swap3A_9 = vector.shape_cast %swap3A_8 : vector<1x1024x128xf32> to vector<1024x128xf32>
    %swap3A_10 = vector.shape_cast %slice3A : vector<1024x128xf32> to vector<1x1024x128xf32>
    tpu.vector_store %arg5[%swap3A, %swap3A_6, %swap3A_7], %swap3A_10 {strides = array<i32>} : memref<2x1024x128xf32, #tpu.memory_space<vmem>>, vector<1x1024x128xf32>,
    %slice3A_11 = vector.extract_strided_slice %dot_general3A_5 {offsets = [0, 128], sizes = [1024, 128], strides = [1, 1]} : vector<1024x256xf32> to vector<1024x128xf32>
    %swap3A_12 = arith.constant 1 : index
    %swap3A_13 = arith.constant 0 : index
    %swap3A_14 = arith.constant 0 : index
    %swap3A_15 = vector.load %arg5[%swap3A_12, %swap3A_13, %swap3A_14] : memref<2x1024x128xf32, #tpu.memory_space<vmem>>, vector<1x1024x128xf32>
    %swap3A_16 = vector.shape_cast %swap3A_15 : vector<1x1024x128xf32> to vector<1024x128xf32>
    %swap3A_17 = vector.shape_cast %slice3A_11 : vector<1024x128xf32> to vector<1x1024x128xf32>
    tpu.vector_store %arg5[%swap3A_12, %swap3A_13, %swap3A_14], %swap3A_17 {strides = array<i32>} : memref<2x1024x128xf32, #tpu.memory_space<vmem>>, vector<1x1024x128xf32>,
    %get3A_18 = arith.constant 0 : index
    %get3A_19 = arith.constant 0 : index
    %get3A_20 = vector.load %arg3[%get3A_18, %get3A_19] : memref<256x256xf32, #tpu.memory_space<vmem>>, vector<256x256xf32>
    %dot_general3A_21 = arith.constant dense<0.000000e+00> : vector<1024x256xf32>
    %dot_general3A_22 = tpu.matmul %get3A_1, %get3A_20, %dot_general3A_21 {dimension_numbers = #tpu.dot_dimension_numbers<[1], [0], [0], [1], [0, 0, 1, 1], [], []>, transpose_lhs_hint = false} : vector<1024x256xf32>, vector<256x256xf32>, vector<1024x256xf32> -> vector<1024x256xf32>
    %get3A_23 = arith.constant 0 : index
    %get3A_24 = arith.constant 0 : index
    %get3A_25 = vector.load %arg4[%get3A_23, %get3A_24] : memref<1x256xf32, #tpu.memory_space<vmem>>, vector<1x256xf32>
    %add3A = vector.broadcast %get3A_25 : vector<1x256xf32> to vector<1024x256xf32>
    %add3A_26 = arith.addf %dot_general3A_22, %add3A : vector<1024x256xf32>
    %swap3A_27 = arith.constant 0 : index
    %swap3A_28 = arith.constant 0 : index
    %swap3A_29 = vector.load %arg6[%swap3A_27, %swap3A_28] : memref<1024x256xf32, #tpu.memory_space<vmem>>, vector<1024x256xf32>
    tpu.vector_store %arg6[%swap3A_27, %swap3A_28], %add3A_26 {strides = array<i32>} : memref<1024x256xf32, #tpu.memory_space<vmem>>, vector<1024x256xf32>,
    return
  }
  func.func @transform_0(%arg0: i32) -> (i32, i32) {
    %c0_i32 = arith.constant 0 : i32
    %c0_i32_0 = arith.constant 0 : i32
    return %arg0, %c0_i32 : i32, i32
  }
  func.func @transform_1(%arg0: i32) -> (i32, i32) {
    %c0_i32 = arith.constant 0 : i32
    %c0_i32_0 = arith.constant 0 : i32
    %c0_i32_1 = arith.constant 0 : i32
    return %c0_i32, %c0_i32_0 : i32, i32
  }
  func.func @transform_2(%arg0: i32) -> (i32, i32) {
    %c0_i32 = arith.constant 0 : i32
    %c0_i32_0 = arith.constant 0 : i32
    %c0_i32_1 = arith.constant 0 : i32
    return %c0_i32, %c0_i32_0 : i32, i32
  }
  func.func @transform_3(%arg0: i32) -> (i32, i32) {
    %c0_i32 = arith.constant 0 : i32
    %c0_i32_0 = arith.constant 0 : i32
    %c0_i32_1 = arith.constant 0 : i32
    return %c0_i32, %c0_i32_0 : i32, i32
  }
  func.func @transform_4(%arg0: i32) -> (i32, i32, i32) {
    %c0_i32 = arith.constant 0 : i32
    %c0_i32_0 = arith.constant 0 : i32
    %c0_i32_1 = arith.constant 0 : i32
    return %c0_i32, %arg0, %c0_i32_0 : i32, i32, i32
  }
  func.func @transform_5(%arg0: i32) -> (i32, i32) {
    %c0_i32 = arith.constant 0 : i32
    %c0_i32_0 = arith.constant 0 : i32
    return %arg0, %c0_i32 : i32, i32
  }
}

module attributes {stable_mosaic.version = 14 : i64} {
  func.func @tc_body(%arg0: i32, %arg1: memref<2x1024x128xf32, #tpu.memory_space<vmem>>, %arg2: memref<32x1024xf32, #tpu.memory_space<vmem>>, %arg3: memref<1024x256xf32, #tpu.memory_space<vmem>>, %arg4: memref<256x256xf32, #tpu.memory_space<vmem>>, %arg5: memref<256x256xf32, #tpu.memory_space<vmem>>, %arg6: memref<1x256xf32, #tpu.memory_space<vmem>>, %arg7: memref<2x1024x128xf32, #tpu.memory_space<vmem>>, %arg8: memref<1024x256xf32, #tpu.memory_space<vmem>>) attributes {dimension_semantics = [#tpu.dimension_semantics<arbitrary>], iteration_bounds = array<i64: 10>, scalar_prefetch = 0 : i64, scratch_operands = 0 : i64, tpu.core_type = #tpu.core_type<tc>, window_params = [{transform_indices = @transform_0, window_bounds = array<i64: 2, 1024, 128>}, {transform_indices = @transform_1, window_bounds = array<i64: 32, 1024>}, {transform_indices = @transform_2, window_bounds = array<i64: 1024, 256>}, {pipeline_mode = #tpu.pipeline_mode<synchronous>, transform_indices = @transform_3, window_bounds = array<i64: 256, 256>}, {pipeline_mode = #tpu.pipeline_mode<synchronous>, transform_indices = @transform_4, window_bounds = array<i64: 256, 256>}, {pipeline_mode = #tpu.pipeline_mode<synchronous>, transform_indices = @transform_5, window_bounds = array<i64: 1, 256>}, {transform_indices = @transform_6, window_bounds = array<i64: 2, 1024, 128>}, {transform_indices = @transform_7, window_bounds = array<i64: 1024, 256>}]} {
    %get3A = arith.constant 0 : index
    %get3A_0 = arith.constant 0 : index
    %get3A_1 = vector.load %arg2[%get3A, %get3A_0] : memref<32x1024xf32, #tpu.memory_space<vmem>>, vector<32x1024xf32>
    %reduce_sum3A = arith.constant dense<0.000000e+00> : vector<1024xf32>
    %reduce_sum3A_2 = vector.multi_reduction <add>, %get3A_1, %reduce_sum3A [0] : vector<32x1024xf32> to vector<1024xf32>
    %max3A = arith.constant 1.000000e+00 : f32
    %max3A_3 = vector.broadcast %max3A : f32 to vector<1024xf32>
    %max3A_4 = arith.maximumf %reduce_sum3A_2, %max3A_3 : vector<1024xf32>
    %reshape3A = vector.shape_cast %max3A_4 : vector<1024xf32> to vector<1024x1xf32>
    %get3A_5 = arith.constant 0 : index
    %get3A_6 = arith.constant 0 : index
    %get3A_7 = arith.constant 0 : index
    %get3A_8 = vector.load %arg1[%get3A_5, %get3A_6, %get3A_7] : memref<2x1024x128xf32, #tpu.memory_space<vmem>>, vector<1x1024x128xf32>
    %get3A_9 = vector.shape_cast %get3A_8 : vector<1x1024x128xf32> to vector<1024x128xf32>
    %get3A_10 = arith.constant 1 : index
    %get3A_11 = arith.constant 0 : index
    %get3A_12 = arith.constant 0 : index
    %get3A_13 = vector.load %arg1[%get3A_10, %get3A_11, %get3A_12] : memref<2x1024x128xf32, #tpu.memory_space<vmem>>, vector<1x1024x128xf32>
    %get3A_14 = vector.shape_cast %get3A_13 : vector<1x1024x128xf32> to vector<1024x128xf32>
    %concatenate3A = tpu.concatenate %get3A_9, %get3A_14 in 1 : vector<1024x128xf32>, vector<1024x128xf32> -> vector<1024x256xf32>
    %div3A = vector.broadcast %reshape3A : vector<1024x1xf32> to vector<1024x256xf32>
    %div3A_15 = arith.divf %concatenate3A, %div3A : vector<1024x256xf32>
    %get3A_16 = arith.constant 0 : index
    %get3A_17 = arith.constant 0 : index
    %get3A_18 = vector.load %arg3[%get3A_16, %get3A_17] : memref<1024x256xf32, #tpu.memory_space<vmem>>, vector<1024x256xf32>
    %add3A = arith.addf %div3A_15, %get3A_18 : vector<1024x256xf32>
    %max3A_19 = arith.constant 0.000000e+00 : f32
    %max3A_20 = vector.broadcast %max3A_19 : f32 to vector<1024x256xf32>
    %max3A_21 = arith.maximumf %add3A, %max3A_20 : vector<1024x256xf32>
    %get3A_22 = arith.constant 0 : index
    %get3A_23 = arith.constant 0 : index
    %get3A_24 = vector.load %arg4[%get3A_22, %get3A_23] : memref<256x256xf32, #tpu.memory_space<vmem>>, vector<256x256xf32>
    %dot_general3A = arith.constant dense<0.000000e+00> : vector<1024x256xf32>
    %dot_general3A_25 = tpu.matmul %max3A_21, %get3A_24, %dot_general3A {dimension_numbers = #tpu.dot_dimension_numbers<[1], [0], [0], [1], [0, 0, 1, 1], [], []>, transpose_lhs_hint = false} : vector<1024x256xf32>, vector<256x256xf32>, vector<1024x256xf32> -> vector<1024x256xf32>
    %slice3A = vector.extract_strided_slice %dot_general3A_25 {offsets = [0, 0], sizes = [1024, 128], strides = [1, 1]} : vector<1024x256xf32> to vector<1024x128xf32>
    %swap3A = arith.constant 0 : index
    %swap3A_26 = arith.constant 0 : index
    %swap3A_27 = arith.constant 0 : index
    %swap3A_28 = vector.load %arg7[%swap3A, %swap3A_26, %swap3A_27] : memref<2x1024x128xf32, #tpu.memory_space<vmem>>, vector<1x1024x128xf32>
    %swap3A_29 = vector.shape_cast %swap3A_28 : vector<1x1024x128xf32> to vector<1024x128xf32>
    %swap3A_30 = vector.shape_cast %slice3A : vector<1024x128xf32> to vector<1x1024x128xf32>
    tpu.vector_store %arg7[%swap3A, %swap3A_26, %swap3A_27], %swap3A_30 {strides = array<i32>} : memref<2x1024x128xf32, #tpu.memory_space<vmem>>, vector<1x1024x128xf32>,
    %slice3A_31 = vector.extract_strided_slice %dot_general3A_25 {offsets = [0, 128], sizes = [1024, 128], strides = [1, 1]} : vector<1024x256xf32> to vector<1024x128xf32>
    %swap3A_32 = arith.constant 1 : index
    %swap3A_33 = arith.constant 0 : index
    %swap3A_34 = arith.constant 0 : index
    %swap3A_35 = vector.load %arg7[%swap3A_32, %swap3A_33, %swap3A_34] : memref<2x1024x128xf32, #tpu.memory_space<vmem>>, vector<1x1024x128xf32>
    %swap3A_36 = vector.shape_cast %swap3A_35 : vector<1x1024x128xf32> to vector<1024x128xf32>
    %swap3A_37 = vector.shape_cast %slice3A_31 : vector<1024x128xf32> to vector<1x1024x128xf32>
    tpu.vector_store %arg7[%swap3A_32, %swap3A_33, %swap3A_34], %swap3A_37 {strides = array<i32>} : memref<2x1024x128xf32, #tpu.memory_space<vmem>>, vector<1x1024x128xf32>,
    %get3A_38 = arith.constant 0 : index
    %get3A_39 = arith.constant 0 : index
    %get3A_40 = vector.load %arg5[%get3A_38, %get3A_39] : memref<256x256xf32, #tpu.memory_space<vmem>>, vector<256x256xf32>
    %dot_general3A_41 = arith.constant dense<0.000000e+00> : vector<1024x256xf32>
    %dot_general3A_42 = tpu.matmul %max3A_21, %get3A_40, %dot_general3A_41 {dimension_numbers = #tpu.dot_dimension_numbers<[1], [0], [0], [1], [0, 0, 1, 1], [], []>, transpose_lhs_hint = false} : vector<1024x256xf32>, vector<256x256xf32>, vector<1024x256xf32> -> vector<1024x256xf32>
    %get3A_43 = arith.constant 0 : index
    %get3A_44 = arith.constant 0 : index
    %get3A_45 = vector.load %arg6[%get3A_43, %get3A_44] : memref<1x256xf32, #tpu.memory_space<vmem>>, vector<1x256xf32>
    %add3A_46 = vector.broadcast %get3A_45 : vector<1x256xf32> to vector<1024x256xf32>
    %add3A_47 = arith.addf %dot_general3A_42, %add3A_46 : vector<1024x256xf32>
    %swap3A_48 = arith.constant 0 : index
    %swap3A_49 = arith.constant 0 : index
    %swap3A_50 = vector.load %arg8[%swap3A_48, %swap3A_49] : memref<1024x256xf32, #tpu.memory_space<vmem>>, vector<1024x256xf32>
    tpu.vector_store %arg8[%swap3A_48, %swap3A_49], %add3A_47 {strides = array<i32>} : memref<1024x256xf32, #tpu.memory_space<vmem>>, vector<1024x256xf32>,
    return
  }
  func.func @transform_0(%arg0: i32) -> (i32, i32, i32) {
    %c0_i32 = arith.constant 0 : i32
    %c0_i32_0 = arith.constant 0 : i32
    %c0_i32_1 = arith.constant 0 : i32
    return %c0_i32, %arg0, %c0_i32_0 : i32, i32, i32
  }
  func.func @transform_1(%arg0: i32) -> (i32, i32) {
    %c0_i32 = arith.constant 0 : i32
    %c0_i32_0 = arith.constant 0 : i32
    return %c0_i32, %arg0 : i32, i32
  }
  func.func @transform_2(%arg0: i32) -> (i32, i32) {
    %c0_i32 = arith.constant 0 : i32
    %c0_i32_0 = arith.constant 0 : i32
    return %arg0, %c0_i32 : i32, i32
  }
  func.func @transform_3(%arg0: i32) -> (i32, i32) {
    %c0_i32 = arith.constant 0 : i32
    %c0_i32_0 = arith.constant 0 : i32
    %c0_i32_1 = arith.constant 0 : i32
    return %c0_i32, %c0_i32_0 : i32, i32
  }
  func.func @transform_4(%arg0: i32) -> (i32, i32) {
    %c0_i32 = arith.constant 0 : i32
    %c0_i32_0 = arith.constant 0 : i32
    %c0_i32_1 = arith.constant 0 : i32
    return %c0_i32, %c0_i32_0 : i32, i32
  }
  func.func @transform_5(%arg0: i32) -> (i32, i32) {
    %c0_i32 = arith.constant 0 : i32
    %c0_i32_0 = arith.constant 0 : i32
    %c0_i32_1 = arith.constant 0 : i32
    return %c0_i32, %c0_i32_0 : i32, i32
  }
  func.func @transform_6(%arg0: i32) -> (i32, i32, i32) {
    %c0_i32 = arith.constant 0 : i32
    %c0_i32_0 = arith.constant 0 : i32
    %c0_i32_1 = arith.constant 0 : i32
    return %c0_i32, %arg0, %c0_i32_0 : i32, i32, i32
  }
  func.func @transform_7(%arg0: i32) -> (i32, i32) {
    %c0_i32 = arith.constant 0 : i32
    %c0_i32_0 = arith.constant 0 : i32
    return %arg0, %c0_i32 : i32, i32
  }
}

module attributes {stable_mosaic.version = 14 : i64} {
  func.func @tc_body(%arg0: i32, %arg1: memref<2x1024x128xf32, #tpu.memory_space<vmem>>, %arg2: memref<32x1024xf32, #tpu.memory_space<vmem>>, %arg3: memref<1024x256xf32, #tpu.memory_space<vmem>>, %arg4: memref<1024x256xf32, #tpu.memory_space<vmem>>) attributes {dimension_semantics = [#tpu.dimension_semantics<arbitrary>], iteration_bounds = array<i64: 10>, scalar_prefetch = 0 : i64, scratch_operands = 0 : i64, tpu.core_type = #tpu.core_type<tc>, window_params = [{transform_indices = @transform_0, window_bounds = array<i64: 2, 1024, 128>}, {transform_indices = @transform_1, window_bounds = array<i64: 32, 1024>}, {transform_indices = @transform_2, window_bounds = array<i64: 1024, 256>}, {transform_indices = @transform_3, window_bounds = array<i64: 1024, 256>}]} {
    %get3A = arith.constant 0 : index
    %get3A_0 = arith.constant 0 : index
    %get3A_1 = vector.load %arg2[%get3A, %get3A_0] : memref<32x1024xf32, #tpu.memory_space<vmem>>, vector<32x1024xf32>
    %reduce_sum3A = arith.constant dense<0.000000e+00> : vector<1024xf32>
    %reduce_sum3A_2 = vector.multi_reduction <add>, %get3A_1, %reduce_sum3A [0] : vector<32x1024xf32> to vector<1024xf32>
    %max3A = arith.constant 1.000000e+00 : f32
    %max3A_3 = vector.broadcast %max3A : f32 to vector<1024xf32>
    %max3A_4 = arith.maximumf %reduce_sum3A_2, %max3A_3 : vector<1024xf32>
    %reshape3A = vector.shape_cast %max3A_4 : vector<1024xf32> to vector<1024x1xf32>
    %get3A_5 = arith.constant 0 : index
    %get3A_6 = arith.constant 0 : index
    %get3A_7 = arith.constant 0 : index
    %get3A_8 = vector.load %arg1[%get3A_5, %get3A_6, %get3A_7] : memref<2x1024x128xf32, #tpu.memory_space<vmem>>, vector<1x1024x128xf32>
    %get3A_9 = vector.shape_cast %get3A_8 : vector<1x1024x128xf32> to vector<1024x128xf32>
    %get3A_10 = arith.constant 1 : index
    %get3A_11 = arith.constant 0 : index
    %get3A_12 = arith.constant 0 : index
    %get3A_13 = vector.load %arg1[%get3A_10, %get3A_11, %get3A_12] : memref<2x1024x128xf32, #tpu.memory_space<vmem>>, vector<1x1024x128xf32>
    %get3A_14 = vector.shape_cast %get3A_13 : vector<1x1024x128xf32> to vector<1024x128xf32>
    %concatenate3A = tpu.concatenate %get3A_9, %get3A_14 in 1 : vector<1024x128xf32>, vector<1024x128xf32> -> vector<1024x256xf32>
    %div3A = vector.broadcast %reshape3A : vector<1024x1xf32> to vector<1024x256xf32>
    %div3A_15 = arith.divf %concatenate3A, %div3A : vector<1024x256xf32>
    %get3A_16 = arith.constant 0 : index
    %get3A_17 = arith.constant 0 : index
    %get3A_18 = vector.load %arg3[%get3A_16, %get3A_17] : memref<1024x256xf32, #tpu.memory_space<vmem>>, vector<1024x256xf32>
    %add3A = arith.addf %div3A_15, %get3A_18 : vector<1024x256xf32>
    %swap3A = arith.constant 0 : index
    %swap3A_19 = arith.constant 0 : index
    %swap3A_20 = vector.load %arg4[%swap3A, %swap3A_19] : memref<1024x256xf32, #tpu.memory_space<vmem>>, vector<1024x256xf32>
    tpu.vector_store %arg4[%swap3A, %swap3A_19], %add3A {strides = array<i32>} : memref<1024x256xf32, #tpu.memory_space<vmem>>, vector<1024x256xf32>,
    return
  }
  func.func @transform_0(%arg0: i32) -> (i32, i32, i32) {
    %c0_i32 = arith.constant 0 : i32
    %c0_i32_0 = arith.constant 0 : i32
    %c0_i32_1 = arith.constant 0 : i32
    return %c0_i32, %arg0, %c0_i32_0 : i32, i32, i32
  }
  func.func @transform_1(%arg0: i32) -> (i32, i32) {
    %c0_i32 = arith.constant 0 : i32
    %c0_i32_0 = arith.constant 0 : i32
    return %c0_i32, %arg0 : i32, i32
  }
  func.func @transform_2(%arg0: i32) -> (i32, i32) {
    %c0_i32 = arith.constant 0 : i32
    %c0_i32_0 = arith.constant 0 : i32
    return %arg0, %c0_i32 : i32, i32
  }
  func.func @transform_3(%arg0: i32) -> (i32, i32) {
    %c0_i32 = arith.constant 0 : i32
    %c0_i32_0 = arith.constant 0 : i32
    return %arg0, %c0_i32 : i32, i32
  }
}

</mosaic_0001>

<sc_bundles>
// kernel: kernel.11.cloned.1.call-start
scs
__scs_entry_jumppad:
0x0: {  	(pc) =	sbr.rel $0x88, $3  }
0x1: {  	(tag) =	ssettag $0x0;
	lr =	simm.s32 $0x1  }
0x2: {  	[smem:$0x3F99] =	sst lr;
	_ =	strace $0xD0000000  }
0x3: {  	_ = 	snop  }
0x4: {  	_ = 	snop  }
0x5: {  	_ = 	snop  }
0x6: {  	_ = 	snop  }
0x7: {  	_ = 	snop  }
__scs_overlays_trampoline_lowered:
0x8: {  	[smem:$0x3FA8] =	sst s0  }
0x9: {  	[smem:$0x3FA9] =	sst s1  }
0xa: {  	[smem:$0x3FAA] =	sst s2  }
0xb: {  	[smem:$0x3FAB] =	sst s3  }
0xc: {  	[smem:$0x3FAC] =	sst s4  }
0xd: {  	[smem:$0x3FAD] =	sst s5  }
0xe: {  	[smem:$0x3FAE] =	sst s6  }
0xf: {  	[smem:$0x3FAF] =	sst s7  }
0x10: {  	[smem:$0x3FB0] =	sst s8  }
0x11: {  	[smem:$0x3FB1] =	sst s9;
	s0 =	simm.s32 @!p0 $0x0  }
0x12: {  	s1 =	sld [smem:$0x3F97];
	s0 =	simm.s32 @p0 $0x1  }
0x13: {  	[smem:$0x3FB2] =	sst s0;
	s0 =	simm.s32 @!p1 $0x0  }
0x14: {  	s2 =	sld [smem:$0x3F96];
	s0 =	simm.s32 @p1 $0x1  }
0x15: {  	[smem:$0x3FB3] =	sst s0;
	s0 =	simm.s32 @!p2 $0x0  }
0x16: {  	s3 =	sld [smem:$0x3FDB];
	s0 =	simm.s32 @p2 $0x1  }
0x17: {  	s4 =	simm.s32 $0x1BF5;
	[smem:$0x3FB5] =	sst s0  }
0x18: {  	s0 =	sld [smem:$0x3F98];
	_ =	swait.ge [sflag:s4], $0x0  }
0x19: {  	s7 =	sld [smem:$0x3F99]  }
0x1a: {  	s8 =	sadd.s32 $0xFFFFE003, lr  }
0x1b: {  	s9 =	sadd.s32 $0xFFFFFEF7, lr;
	s5 =	simm.s32 $0xFFFFFFFF;
	p2 =	slt.u32 s8, $0xFFFFF086  }
0x1c: {  	p1 =	slt.u32 s9, $0xF7A;
	s5 =	simm.s32 @!p2 $0x0  }
0x1d: {  	s5 =	simm.s32 @p1 $0x1;
	p0 =	seq.s32 s7, s2  }
0x1e: {  	s7 =	smul.u32 @!p0 $0xF7A, s2;
	p2 =	seq.s32 @!p0 s5, $0x0  }
0x1f: {  	s9 =	smul.u32 $0xF7A, s1;
	s8 =	simm.s32 @!p0 $0x1BF5;
	p2 =	por !p2, p0  }
0x20: {  	[sflag:s8] =	ssyncset.s32 @!p0 $0xFFFFF086;
	s6 =	sadd.s32 @!p0 s3, s7;
	s7 =	simm.s32 @!p0 $0x108  }
0x21: {  	s3 =	sadd.s32 s3, s9;
	s6 =	sadd.s32 @!p0 $0x88, s6;
	s7 =	simm.s32 @p2 $0x1082  }
0x22: {  	[simem:s7], [sflag:s8] =	dma.local @!p0 [hbm:s6], $0xF7A  }
0x23: {  	s9 =	sor.u32 $0xD0000000, s2;
	s6 =	simm.s32 $0x108;
	_ =	swait.ge @!p0 [sflag:s8], $0x0  }
0x24: {  	s3 =	sadd.s32 $0x88, s3;
	s6 =	simm.s32 @!p1 $0x1082;
	[sflag:s4] =	ssyncset.s32 $0xFFFFF086  }
0x25: {  	[simem:s6], [sflag:s4] =	dma.local [hbm:s3], $0xF7A  }
0x26: {  	[smem:$0x3F99] =	sst s1;
	(tag) =	ssettag s2;
	_ =	strace s9  }
0x27: {  	s1 =	sld [smem:$0x3FA9]  }
0x28: {  	s2 =	sld [smem:$0x3FAA]  }
0x29: {  	s4 =	sld [smem:$0x3FAC]  }
0x2a: {  	p0 =	seq.s32 s5, $0x0;
	s5 =	sld [smem:$0x3FAD]  }
0x2b: {  	s6 =	sld [smem:$0x3FAE]  }
0x2c: {  	s7 =	sld [smem:$0x3FAF]  }
0x2d: {  	s3 =	simm.s32 $0x108;
	s8 =	sld [smem:$0x3FB0]  }
0x2e: {  	s3 =	simm.s32 @!p0 $0x1082;
	s9 =	sld [smem:$0x3FB1]  }
0x2f: {  	lr =	sadd.s32 s0, s3;
	s0 =	sld [smem:$0x3FA8]  }
0x30: {  	s3 =	sld [smem:$0x3FAB]  }
0x31: {  	[smem:$0x3FB4] =	sst s10  }
0x32: {  	s10 =	sld [smem:$0x3FB2];
	_ =	sdelay $0x3  }
0x33: {  	p0 =	seq.s32 s10, $0x1;
	s10 =	sld [smem:$0x3FB4];
	_ =	sdelay $0x3  }
0x34: {  	[smem:$0x3FB4] =	sst s10  }
0x35: {  	s10 =	sld [smem:$0x3FB3];
	_ =	sdelay $0x3  }
0x36: {  	p1 =	seq.s32 s10, $0x1;
	s10 =	sld [smem:$0x3FB4];
	_ =	sdelay $0x3  }
0x37: {  	[smem:$0x3FB4] =	sst s10  }
0x38: {  	s10 =	sld [smem:$0x3FB5]  }
0x39: {  	_ = 	snop;
	(pc) =	sbr.ind lr, $3  }
0x3a: {  	_ = 	snop  }
0x3b: {  	_ = 	snop  }
0x3c: {  	p2 =	seq.s32 s10, $0x1;
	s10 =	sld [smem:$0x3FB4]  }
0x3d: {  	_ =	shalt  }
0x3e: {  	_ =	shalt  }
0x3f: {  	_ =	shalt  }
0x40: {  	_ =	shalt  }
0x41: {  	_ =	shalt  }
0x42: {  	_ =	shalt  }
0x43: {  	_ =	shalt  }
0x44: {  	_ =	shalt  }
0x45: {  	_ =	shalt  }
0x46: {  	_ =	shalt  }
0x47: {  	_ =	shalt  }
0x48: {  	_ =	shalt  }
0x49: {  	_ =	shalt  }
0x4a: {  	_ =	shalt  }
0x4b: {  	_ =	shalt  }
0x4c: {  	_ =	shalt  }
0x4d: {  	_ =	shalt  }
0x4e: {  	_ =	shalt  }
0x4f: {  	_ =	shalt  }
0x50: {  	_ =	shalt  }
0x51: {  	_ =	shalt  }
0x52: {  	_ =	shalt  }
0x53: {  	_ =	shalt  }
0x54: {  	_ =	shalt  }
0x55: {  	_ =	shalt  }
0x56: {  	_ =	shalt  }
0x57: {  	_ =	shalt  }
0x58: {  	_ =	shalt  }
0x59: {  	_ =	shalt  }
0x5a: {  	_ =	shalt  }
0x5b: {  	_ =	shalt  }
0x5c: {  	_ =	shalt  }
0x5d: {  	_ =	shalt  }
0x5e: {  	_ =	shalt  }
0x5f: {  	_ =	shalt  }
0x60: {  	_ =	shalt  }
0x61: {  	_ =	shalt  }
0x62: {  	_ =	shalt  }
0x63: {  	_ =	shalt  }
0x64: {  	_ =	shalt  }
0x65: {  	_ =	shalt  }
0x66: {  	_ =	shalt  }
0x67: {  	_ =	shalt  }
0x68: {  	_ =	shalt  }
0x69: {  	_ =	shalt  }
0x6a: {  	_ =	shalt  }
0x6b: {  	_ =	shalt  }
0x6c: {  	_ =	shalt  }
0x6d: {  	_ =	shalt  }
0x6e: {  	_ =	shalt  }
0x6f: {  	_ =	shalt  }
0x70: {  	_ =	shalt  }
0x71: {  	_ =	shalt  }
0x72: {  	_ =	shalt  }
0x73: {  	_ =	shalt  }
0x74: {  	_ =	shalt  }
0x75: {  	_ =	shalt  }
0x76: {  	_ =	shalt  }
0x77: {  	_ =	shalt  }
0x78: {  	_ =	shalt  }
0x79: {  	_ =	shalt  }
0x7a: {  	_ =	shalt  }
0x7b: {  	_ =	shalt  }
0x7c: {  	_ =	shalt  }
0x7d: {  	_ =	shalt  }
0x7e: {  	_ =	shalt  }
0x7f: {  	_ =	shalt  }
0x80: {  	_ =	shalt  }
0x81: {  	_ =	shalt  }
0x82: {  	_ =	shalt  }
0x83: {  	_ =	shalt  }
0x84: {  	_ =	shalt  }
0x85: {  	_ =	shalt  }
0x86: {  	_ =	shalt  }
0x87: {  	_ =	shalt  }
.Lfunc_end0:
.L_simem_size_0:
called_computation.1_lowered:
.L_overlay_start_0:
0x88: {  	s2 =	sld [smem:$0x3FD9]  }
0x89: {  	s3 =	sld [smem:$0x3FFE];
	_ =	sdelay $0x1  }
0x8a: {  	s1 =	srdreg.scid  }
0x8b: {  	s0 =	sand.u32 $0x1, s1  }
0x8c: {  	s17 =	sshll.u32 s0, $0xA;
	s2 =	sadd.s32 s3, s2  }
0x8d: {  	s2 =	sadd.s32 s2, s17  }
0x8e: {  	[smem:$0x3FC0] =	sst s2  }
0x8f: {  	_ = 	snop  }
0x90: {  	s18 =	sld [smem:$0x3FD0];
	(tm) =	ssettm $0x1  }
0x91: {  	s19 =	sld [smem:$0x3FFB];
	_ =	sdelay $0x3  }
0x92: {  	_ =	strace s19  }
0x93: {  	s2 =	sld [smem:$0x3FFC];
	_ =	sdelay $0x3  }
0x94: {  	_ =	strace s2  }
0x95: {  	s2 =	sld [smem:$0x3FFD];
	_ =	sdelay $0x3  }
0x96: {  	_ =	strace s2  }
0x97: {  	_ =	strace $0x8FFFFFFF  }
0x98: {  	s20 =	sld [smem:$0x3FDB];
	_ =	sdelay $0x1  }
0x99: {  	s4 =	simm.s32 $_scs_section_size  }
0x9a: {  	s5 =	simm.s32 $_size__tile_overlayer_lowered;
	s6 =	simm.s32 $_tile_overlayer_lowered  }
0x9b: {  	s7 =	simm.s32 $0x1BFF;
	s21 =	sshll.u32 s6, $0x1;
	s4 =	sadd.s32 s4, s20  }
0x9c: {  	s22 =	simm.s32 $0x0;
	s5 =	sshll.u32 s5, $0x1;
	s6 =	sadd.s32 s21, s4  }
0x9d: {  	[timem:s22], [sflag:s7] =	dma.local [hbm:s6], s5  }
0x9e: {  	_ =	swait.ge [sflag:s7], s5  }
0x9f: {  	s5 =	ssub.s32 $0x0, s5;
	[sflag:s7] =	ssyncset.done $0x0  }
0xa0: {  	[sflag:s7] =	ssyncadd.s32 s5;
	_ =	sdelay $0x1  }
0xa1: {  	s23 =	simm.s32 $0x1B8B  }
0xa2: {  	_ =	swait.ge [sflag:s23], $0x1  }
0xa3: {  	[sflag:s23] =	ssyncset.done $0x0  }
0xa4: {  	[sflag:s23] =	ssyncadd.s32 $0xFFFFFFFF  }
0xa5: {  	s5 =	sld [smem:$0x0]  }
0xa6: {  	s6 =	sand.u32 $0xFFFFFFFE, s1  }
0xa7: {  	p0 =	sne.s32 s1, s6  }
0xa8: {  	s6 =	sshll.u32 @p0 s6, $0xE  }
0xa9: {  	s6 =	sadd.s32 @p0 $0x11B8D, s6;
	s7 =	sshll.u32 @p0 s5, $0x11  }
0xaa: {  	s6 =	sor.u32 @p0 s7, s6  }
0xab: {  	[sflag:s6] =	ssyncadd.remote.s32 @p0 $0x1;
	_ =	sdelay $0x1  }
0xac: {  	s6 =	simm.s32 @p0 $0x1B8D  }
0xad: {  	_ =	swait.eq @p0 [sflag:s6], $0x1  }
0xae: {  	[sflag:s6] =	ssyncadd.s32 @p0 $0xFFFFFFFF  }
0xaf: {  	s7 =	sshll.u32 @!p0 s1, $0xE  }
0xb0: {  	s7 =	sor.u32 @!p0 $0x4000, s7;
	s6 =	simm.s32 @!p0 $0x1B8D  }
0xb1: {  	s5 =	sshll.u32 @!p0 s5, $0x11;
	s7 =	sadd.s32 @!p0 $0x11B8D, s7;
	_ =	swait.eq @!p0 [sflag:s6], $0x1  }
0xb2: {  	s5 =	sor.u32 @!p0 s5, s7;
	[sflag:s6] =	ssyncadd.s32 @!p0 $0xFFFFFFFF  }
0xb3: {  	s25 =	simm.s32 $0x1B8E;
	s24 =	sld [smem:$0x3FFE];
	[sflag:s5] =	ssyncadd.remote.s32 @!p0 $0x1  }
0xb4: {  	s26 =	simm.s32 $execute0_lowered;
	[smem:$0x3FD2] =	sst s25  }
0xb5: {  	s6 =	sshll.u32 s26, $0x1;
	_ =	strace $0x80000049;
	[dreg:$0x1] =	wrdreg $0xFFFFFFFF  }
0xb6: {  	s28 =	simm.s32 $_size_execute0_lowered;
	s4 =	sadd.s32 s4, s6;
	[dreg:$0x0] =	wrdreg $0x0  }
0xb7: {  	s6 =	sshll.u32 s28, $0x1;
	[dreg:$0x2] =	wrdreg s4  }
0xb8: {  	[dreg:$0x3] =	wrdreg s6  }
0xb9: {  	[dreg:$0x4] =	wrdreg $0xC0  }
0xba: {  	_ =	task [dreg:s22], $0x5FFFF  }
0xbb: {  	[dreg:$0x1] =	wrdreg $0xFFFFFFFF  }
0xbc: {  	[dreg:$0x0] =	wrdreg $0x60  }
0xbd: {  	[dreg:$0x2] =	wrdreg s18  }
0xbe: {  	[dreg:$0x3] =	wrdreg s24  }
0xbf: {  	[dreg:$0x4] =	wrdreg $0x70000  }
0xc0: {  	[dreg:$0x5] =	wrdreg $0xA  }
0xc1: {  	_ =	task.clear_ibuf [dreg:s22], $0x6FFFF;
	_ =	strace $0x90000049  }
0xc2: {  	s29 =	simm.s32 $0xA;
	_ =	strace $0x8000004B  }
0xc3: {  	_ =	swait.ge [sflag:s29], $0x1  }
0xc4: {  	[sflag:s29] =	ssyncadd.s32 $0xFFFFFFFF  }
0xc5: {  	_ =	strace $0x9000004B  }
0xc6: {  	_ =	sfence  }
0xc7: {  	s30 =	sld [smem:$0x0];
	_ =	sdelay $0x2  }
0xc8: {  	s31 =	sshll.u32 s1, $0xD;
	s1 =	sshrl.u32 s1, $0x2  }
0xc9: {  	s4 =	sand.u32 $0x4000, s31;
	s1 =	sadd.s32 s1, s30  }
0xca: {  	s0 =	sor.u32 s4, s0;
	s1 =	sshll.u32 s1, $0x11  }
0xcb: {  	s0 =	sor.u32 s1, s0  }
0xcc: {  	s0 =	sadd.s32 $0x8F2B, s0  }
0xcd: {  	[sflag:s0] =	ssyncadd.remote.s32 $0x1  }
0xce: {  	_ =	sfence.sel $0xFFFF  }
0xcf: {  	[dreg:$0x0] =	wrdreg $0xFFFFFFFF;
	(pc) =	sbr.abs _section_cstart, $3  }
0xd0: {  	[dreg:$0x1] =	wrdreg $0xFFFFFFFF  }
0xd1: {  	_ =	task.clear_ibuf [dreg:s22], $0x2FFFF;
	_ =	strace $0x9FFFFFFF  }
0xd2: {  	(tm) =	ssettm $0x7FFFFFFF  }
0xd3: {  	_ =	shalt  }
tec
execute0_lowered:
.L_overlay_start_1:
0x0: {  	(tag) =	ssettag $0x1  }
0x1: {  	s8 =	rddreg [dreg:$0x0]  }
0x2: {  	s5 =	rddreg [dreg:$0x1]  }
0x3: {  	s2 =	rddreg [dreg:$0x2]  }
0x4: {  	s0 =	rddreg [dreg:$0x3]  }
0x5: {  	s3 =	simm.s32 $0x0;
	s1 =	stileid.u32;
	s4 =	srdreg.scid  }
0x6: {  	s14 =	simm.s32 $0x2000;
	s15 =	simm.s32 $0x1;
	s16 =	simm.s32 $0x80  }
0x7: {  	s17 =	simm.s32 $0x4800;
	s18 =	simm.s32 $0x2;
	s19 =	simm.s32 $0x3  }
0x8: {  	s20 =	simm.s32 $0x4;
	s21 =	simm.s32 $0x1B80;
	s6 =	smul.u32 $0xA00, s1  }
0x9: {  	s22 =	simm.s32 $0xC00;
	s23 =	simm.s32 $0x1C00;
	s12 =	smul.u32 $0x50000, s1  }
0xa: {  	[smem:$0x7FF] =	sst s3;
	s7 =	sand.u32 $0x1, s4;
	s25 =	smul.u32 $0x2800, s1  }
0xb: {  	s4 =	sadd.s32 $0x73000, s5;
	s30 =	sshll.u32 s1, $0x6;
	s9 =	smul.u32 $0x28000, s7  }
0xc: {  	_ =	strace $0x8000004A;
	s10 =	ssub.s32 $0x2, s7;
	s31 =	smul.u32 $0x27100, s7  }
0xd: {  	s11 =	sadd.s32 s6, s5;
	s28 =	sshrl.u32 s10, $0x1;
	s29 =	sshrl.u32 s12, $0x2  }
0xe: {  	s12 =	simm.s32 $0x1000;
	s9 =	sadd.s32 s9, s5;
	s10 =	ssub.s32 s10, s28  }
0xf: {  	s13 =	sadd.s32 s29, s2;
	s5 =	sor.u32 $0x1C05, s30;
	s6 =	sadd.s32 $0x1AE00, s11  }
0x10: {  	s7 =	sadd.s32 $0x10E00, s11;
	s8 =	sadd.s32 s8, s31;
	s11 =	simm.s32 $0x5  }
0x11: {  	s24 =	sadd.s32 $0x75800, s9;
	s9 =	smax.u32 s10, $0x1;
	s10 =	sshrl.u32 s13, $0x3  }
0x12: {  	s13 =	simm.s32 $0x50;
	s24 =	sadd.s32 s25, s24;
	s25 =	simm.s32 $0x0  }
.LBB2_1:
0x13: {  	[spmem:s10], [sflag:s5] =	dma.local [hbm:s4], $0x2800  }
0x14: {  	_ =	swait.ge [sflag:s11], $0x2800  }
0x15: {  	[sflag:s11] =	ssyncset.done $0x0  }
0x16: {  	[sflag:s11] =	ssyncadd.s32 $0xFFFFD800  }
0x17: {  	s26 =	simm.s32 $0x0;
	[bflag:$0x0] =	sbarrier.arrive $0xFFFF  }
.LBB2_2:
0x18: {  	s28 =	sshll.u32 s26, $0x9  }
0x19: {  	s29 =	sadd.s32 s28, s6  }
0x1a: {  	[tilespmem:s3], [sflag:$0x5] =	stream.linear.gather [hbm4b:s29+s3], $0xC80, $0x38;
	[tilespmem:$0x1B000] =	vst v63  }
0x1b: {  	_ =	swait.ge [sflag:s11], $0xC80  }
0x1c: {  	[sflag:s11] =	ssyncset.done $0x0  }
0x1d: {  	s28 =	sadd.s32 s28, s7;
	[sflag:s11] =	ssyncadd.s32 $0xFFFFF380  }
0x1e: {  	[tilespmem:s12], [sflag:$0x5] =	stream.linear.gather [hbm4b:s28+s3], $0xC80, $0x38;
	[tilespmem:$0x1B000] =	vst v63  }
0x1f: {  	_ =	swait.ge [sflag:s11], $0xC80  }
0x20: {  	[sflag:s11] =	ssyncset.done $0x0  }
0x21: {  	[sflag:s11] =	ssyncadd.s32 $0xFFFFF380  }
0x22: {  	[tilespmem:s14], [sflag:$0x1] =	stream.indirect.gather [hbm4b:s8+s13], $0x80, s3, s13, $0xb8;
	[tilespmem:$0x1B000] =	vst v63  }
0x23: {  	_ =	swait.ge [sflag:s15], $0x2800  }
0x24: {  	[sflag:s15] =	ssyncset.done $0x0  }
0x25: {  	[sflag:s15] =	ssyncadd.s32 $0xFFFFD800  }
0x26: {  	[spmem:s2] =	stream.indirect.scatter.add.f32 [tilespmem:s14], [sflag:$0x3], $0x80, s12, s13, $0xb8;
	[tilespmem:$0x1B000] =	vst v63  }
0x27: {  	_ = 	snop  }
0x28: {  	[tilespmem:s17], [sflag:$0x2] =	stream.indirect.gather [hbm4b:s8+s13], $0x80, s16, s13, $0xb8;
	[tilespmem:$0x1B000] =	vst v63  }
0x29: {  	_ =	swait.ge [sflag:s18], $0x2800  }
0x2a: {  	[sflag:s18] =	ssyncset.done $0x0  }
0x2b: {  	s28 =	simm.s32 $0x1080;
	[sflag:s18] =	ssyncadd.s32 $0xFFFFD800  }
0x2c: {  	[spmem:s2] =	stream.indirect.scatter.add.f32 [tilespmem:s17], [sflag:$0x4], $0x80, s28, s13, $0xb8;
	[tilespmem:$0x1B000] =	vst v63  }
0x2d: {  	_ =	swait.ge [sflag:s19], $0x2800  }
0x2e: {  	[sflag:s19] =	ssyncset.done $0x0  }
0x2f: {  	s28 =	simm.s32 $0x100;
	[sflag:s19] =	ssyncadd.s32 $0xFFFFD800  }
0x30: {  	[tilespmem:s14], [sflag:$0x1] =	stream.indirect.gather [hbm4b:s8+s13], $0x80, s28, s13, $0xb8;
	[tilespmem:$0x1B000] =	vst v63  }
0x31: {  	_ =	swait.ge [sflag:s15], $0x2800  }
0x32: {  	[sflag:s15] =	ssyncset.done $0x0  }
0x33: {  	s28 =	simm.s32 $0x1100;
	[sflag:s15] =	ssyncadd.s32 $0xFFFFD800  }
0x34: {  	[spmem:s2] =	stream.indirect.scatter.add.f32 [tilespmem:s14], [sflag:$0x3], $0x80, s28, s13, $0xb8;
	[tilespmem:$0x1B000] =	vst v63  }
0x35: {  	_ =	swait.ge [sflag:s20], $0x2800  }
0x36: {  	[sflag:s20] =	ssyncset.done $0x0  }
0x37: {  	s29 =	simm.s32 $0x180;
	s28 =	simm.s32 $0xFFFFD800;
	[sflag:s20] =	ssyncadd.s32 $0xFFFFD800  }
.LBB2_3:
0x38: {  	[tilespmem:s17], [sflag:$0x2] =	stream.indirect.gather [hbm4b:s8+s13], $0x80, s29, s13, $0xb8;
	[tilespmem:$0x1B000] =	vst v63  }
0x39: {  	s29 =	smov.u32 s28  }
0x3a: {  	p0 =	sne.s32 s28, $0xFFFFFC00;
	s28 =	sadd.s32 $0x400, s28;
	_ =	swait.ge [sflag:s18], $0x2800  }
0x3b: {  	s29 =	sshra.s32 s29, $0x2;
	[sflag:s18] =	ssyncset.done $0x0  }
0x3c: {  	s30 =	sadd.s32 $0x1B80, s29;
	[sflag:s18] =	ssyncadd.s32 $0xFFFFD800  }
0x3d: {  	[spmem:s2] =	stream.indirect.scatter.add.f32 [tilespmem:s17], [sflag:$0x4], $0x80, s30, s13, $0xb8;
	[tilespmem:$0x1B000] =	vst v63  }
0x3e: {  	_ =	swait.ge [sflag:s19], $0x2800  }
0x3f: {  	[sflag:s19] =	ssyncset.done $0x0  }
0x40: {  	s30 =	sadd.s32 $0xC00, s29;
	[sflag:s19] =	ssyncadd.s32 $0xFFFFD800  }
0x41: {  	[tilespmem:s14], [sflag:$0x1] =	stream.indirect.gather [hbm4b:s8+s13], $0x80, s30, s13, $0xb8;
	[tilespmem:$0x1B000] =	vst v63  }
0x42: {  	_ =	swait.ge [sflag:s15], $0x2800  }
0x43: {  	[sflag:s15] =	ssyncset.done $0x0  }
.Ltmp0:
0x44: {  	s30 =	sadd.s32 $0x1C00, s29;
	[sflag:s15] =	ssyncadd.s32 $0xFFFFD800;
	(pc) =	sbr.rel @p0 .LBB2_3-.Ltmp0, $4  }
0x45: {  	[spmem:s2] =	stream.indirect.scatter.add.f32 [tilespmem:s14], [sflag:$0x3], $0x80, s30, s13, $0xb8;
	[tilespmem:$0x1B000] =	vst v63  }
0x46: {  	_ =	swait.ge [sflag:s20], $0x2800  }
0x47: {  	[sflag:s20] =	ssyncset.done $0x0  }
0x48: {  	s29 =	sadd.s32 $0xC80, s29;
	[sflag:s20] =	ssyncadd.s32 $0xFFFFD800  }
0x49: {  	[tilespmem:s17], [sflag:$0x2] =	stream.indirect.gather [hbm4b:s8+s13], $0x80, s29, s13, $0xb8;
	[tilespmem:$0x1B000] =	vst v63  }
0x4a: {  	_ =	swait.ge [sflag:s18], $0x2800  }
0x4b: {  	[sflag:s18] =	ssyncset.done $0x0  }
0x4c: {  	[sflag:s18] =	ssyncadd.s32 $0xFFFFD800  }
0x4d: {  	[spmem:s2] =	stream.indirect.scatter.add.f32 [tilespmem:s17], [sflag:$0x4], $0x80, s21, s13, $0xb8;
	[tilespmem:$0x1B000] =	vst v63  }
0x4e: {  	_ =	swait.ge [sflag:s19], $0x2800  }
0x4f: {  	[sflag:s19] =	ssyncset.done $0x0  }
0x50: {  	[sflag:s19] =	ssyncadd.s32 $0xFFFFD800  }
0x51: {  	[tilespmem:s14], [sflag:$0x1] =	stream.indirect.gather [hbm4b:s8+s13], $0x80, s22, s13, $0xb8;
	[tilespmem:$0x1B000] =	vst v63  }
0x52: {  	_ =	swait.ge [sflag:s15], $0x2800  }
0x53: {  	[sflag:s15] =	ssyncset.done $0x0  }
0x54: {  	s26 =	sadd.s32 $0x1, s26;
	[sflag:s15] =	ssyncadd.s32 $0xFFFFD800  }
0x55: {  	[spmem:s2] =	stream.indirect.scatter.add.f32 [tilespmem:s14], [sflag:$0x3], $0x80, s23, s13, $0xb8;
	[tilespmem:$0x1B000] =	vst v63  }
0x56: {  	p0 =	sne.s32 s26, $0x5;
	_ =	swait.ge [sflag:s20], $0x2800  }
.Ltmp1:
0x57: {  	[sflag:s20] =	ssyncset.done $0x0;
	(pc) =	sbr.rel @p0 .LBB2_2-.Ltmp1, $4  }
0x58: {  	[sflag:s20] =	ssyncadd.s32 $0xFFFFD800  }
0x59: {  	_ =	swait.ge [sflag:s19], $0x2800  }
0x5a: {  	[sflag:s19] =	ssyncset.done $0x0  }
0x5b: {  	[sflag:s19] =	ssyncadd.s32 $0xFFFFD800  }
0x5c: {  	s25 =	sadd.s32 $0x1, s25  }
0x5d: {  	p0 =	sne.s32 s25, s9  }
.Ltmp2:
0x5e: {  	[bflag:$0x0] =	sbarrier.arrive $0xFFFF;
	(pc) =	sbr.rel @p0 .LBB2_1-.Ltmp2, $4  }
0x5f: {  	[hbm:s24], [sflag:s5] =	dma.local [spmem:s10], $0x2800  }
0x60: {  	_ =	swait.ge [sflag:s11], $0x2800  }
0x61: {  	[sflag:s11] =	ssyncset.done $0x0  }
0x62: {  	[sflag:s11] =	ssyncadd.s32 $0xFFFFD800  }
0x63: {  	_ =	sfence.sel $0x180000  }
0x64: {  	[bflag:$0x0] =	sbarrier.arrive $0xFFFF  }
0x65: {  	p0 =	sne.s32 s1, $0x0;
	_ =	strace $0x9000004A  }
0x66: {  	s0 =	sadd.s32 @!p0 $0x100000, s0;
	[bflag:$0x2] =	sbarrier.arrive $0xFFFF  }
0x67: {  	[sflag:s0] =	ssyncadd.tile.s32 @!p0 $0x1;
	_ =	shalt  }
.Lfunc_end2:
_tile_overlayer_lowered:
.L_overlay_start_2:
0x68: {  	(tag) =	ssettag $0x2  }
0x69: {  	s0 =	rddreg [dreg:$0x0];
	s2 =	stileid.u32  }
0x6a: {  	s1 =	rddreg [dreg:$0x1];
	p0 =	sne.s32 s2, $0x0  }
0x6b: {  	s3 =	rddreg [dreg:$0x2];
	[bflag:$0x3] =	sbarrier.arrive $0xFFFF;
	s2 =	simm.s32 @!p0 $0x1C05  }
0x6c: {  	[timem:s3], [sflag:s2] =	dma.local @!p0 [hbm:s0], s1  }
0x6d: {  	s0 =	simm.s32 @!p0 $0x5  }
0x6e: {  	_ =	swait.ge @!p0 [sflag:s0], s1  }
0x6f: {  	s1 =	ssub.s32 @!p0 $0x0, s1;
	[sflag:s0] =	ssyncset.done @!p0 $0x0  }
0x70: {  	[sflag:s0] =	ssyncadd.s32 @!p0 s1  }
0x71: {  	[bflag:$0x3] =	sbarrier.arrive $0xFFFF  }
0x72: {  	_ =	shalt  }

// kernel: kernel.14.cloned.1.call-start
scs
__scs_entry_jumppad:
0x0: {  	(pc) =	sbr.rel $0x88, $3  }
0x1: {  	(tag) =	ssettag $0x0;
	lr =	simm.s32 $0x1  }
0x2: {  	[smem:$0x3F99] =	sst lr;
	_ =	strace $0xD0000000  }
0x3: {  	_ = 	snop  }
0x4: {  	_ = 	snop  }
0x5: {  	_ = 	snop  }
0x6: {  	_ = 	snop  }
0x7: {  	_ = 	snop  }
__scs_overlays_trampoline_lowered:
0x8: {  	[smem:$0x3FA8] =	sst s0  }
0x9: {  	[smem:$0x3FA9] =	sst s1  }
0xa: {  	[smem:$0x3FAA] =	sst s2  }
0xb: {  	[smem:$0x3FAB] =	sst s3  }
0xc: {  	[smem:$0x3FAC] =	sst s4  }
0xd: {  	[smem:$0x3FAD] =	sst s5  }
0xe: {  	[smem:$0x3FAE] =	sst s6  }
0xf: {  	[smem:$0x3FAF] =	sst s7  }
0x10: {  	[smem:$0x3FB0] =	sst s8  }
0x11: {  	[smem:$0x3FB1] =	sst s9;
	s0 =	simm.s32 @!p0 $0x0  }
0x12: {  	s1 =	sld [smem:$0x3F97];
	s0 =	simm.s32 @p0 $0x1  }
0x13: {  	[smem:$0x3FB2] =	sst s0;
	s0 =	simm.s32 @!p1 $0x0  }
0x14: {  	s2 =	sld [smem:$0x3F96];
	s0 =	simm.s32 @p1 $0x1  }
0x15: {  	[smem:$0x3FB3] =	sst s0;
	s0 =	simm.s32 @!p2 $0x0  }
0x16: {  	s3 =	sld [smem:$0x3FDB];
	s0 =	simm.s32 @p2 $0x1  }
0x17: {  	s4 =	simm.s32 $0x1BF5;
	[smem:$0x3FB5] =	sst s0  }
0x18: {  	s0 =	sld [smem:$0x3F98];
	_ =	swait.ge [sflag:s4], $0x0  }
0x19: {  	s7 =	sld [smem:$0x3F99]  }
0x1a: {  	s8 =	sadd.s32 $0xFFFFE003, lr  }
0x1b: {  	s9 =	sadd.s32 $0xFFFFFEF7, lr;
	s5 =	simm.s32 $0xFFFFFFFF;
	p2 =	slt.u32 s8, $0xFFFFF086  }
0x1c: {  	p1 =	slt.u32 s9, $0xF7A;
	s5 =	simm.s32 @!p2 $0x0  }
0x1d: {  	s5 =	simm.s32 @p1 $0x1;
	p0 =	seq.s32 s7, s2  }
0x1e: {  	s7 =	smul.u32 @!p0 $0xF7A, s2;
	p2 =	seq.s32 @!p0 s5, $0x0  }
0x1f: {  	s9 =	smul.u32 $0xF7A, s1;
	s8 =	simm.s32 @!p0 $0x1BF5;
	p2 =	por !p2, p0  }
0x20: {  	[sflag:s8] =	ssyncset.s32 @!p0 $0xFFFFF086;
	s6 =	sadd.s32 @!p0 s3, s7;
	s7 =	simm.s32 @!p0 $0x108  }
0x21: {  	s3 =	sadd.s32 s3, s9;
	s6 =	sadd.s32 @!p0 $0x88, s6;
	s7 =	simm.s32 @p2 $0x1082  }
0x22: {  	[simem:s7], [sflag:s8] =	dma.local @!p0 [hbm:s6], $0xF7A  }
0x23: {  	s9 =	sor.u32 $0xD0000000, s2;
	s6 =	simm.s32 $0x108;
	_ =	swait.ge @!p0 [sflag:s8], $0x0  }
0x24: {  	s3 =	sadd.s32 $0x88, s3;
	s6 =	simm.s32 @!p1 $0x1082;
	[sflag:s4] =	ssyncset.s32 $0xFFFFF086  }
0x25: {  	[simem:s6], [sflag:s4] =	dma.local [hbm:s3], $0xF7A  }
0x26: {  	[smem:$0x3F99] =	sst s1;
	(tag) =	ssettag s2;
	_ =	strace s9  }
0x27: {  	s1 =	sld [smem:$0x3FA9]  }
0x28: {  	s2 =	sld [smem:$0x3FAA]  }
0x29: {  	s4 =	sld [smem:$0x3FAC]  }
0x2a: {  	p0 =	seq.s32 s5, $0x0;
	s5 =	sld [smem:$0x3FAD]  }
0x2b: {  	s6 =	sld [smem:$0x3FAE]  }
0x2c: {  	s7 =	sld [smem:$0x3FAF]  }
0x2d: {  	s3 =	simm.s32 $0x108;
	s8 =	sld [smem:$0x3FB0]  }
0x2e: {  	s3 =	simm.s32 @!p0 $0x1082;
	s9 =	sld [smem:$0x3FB1]  }
0x2f: {  	lr =	sadd.s32 s0, s3;
	s0 =	sld [smem:$0x3FA8]  }
0x30: {  	s3 =	sld [smem:$0x3FAB]  }
0x31: {  	[smem:$0x3FB4] =	sst s10  }
0x32: {  	s10 =	sld [smem:$0x3FB2];
	_ =	sdelay $0x3  }
0x33: {  	p0 =	seq.s32 s10, $0x1;
	s10 =	sld [smem:$0x3FB4];
	_ =	sdelay $0x3  }
0x34: {  	[smem:$0x3FB4] =	sst s10  }
0x35: {  	s10 =	sld [smem:$0x3FB3];
	_ =	sdelay $0x3  }
0x36: {  	p1 =	seq.s32 s10, $0x1;
	s10 =	sld [smem:$0x3FB4];
	_ =	sdelay $0x3  }
0x37: {  	[smem:$0x3FB4] =	sst s10  }
0x38: {  	s10 =	sld [smem:$0x3FB5]  }
0x39: {  	_ = 	snop;
	(pc) =	sbr.ind lr, $3  }
0x3a: {  	_ = 	snop  }
0x3b: {  	_ = 	snop  }
0x3c: {  	p2 =	seq.s32 s10, $0x1;
	s10 =	sld [smem:$0x3FB4]  }
0x3d: {  	_ =	shalt  }
0x3e: {  	_ =	shalt  }
0x3f: {  	_ =	shalt  }
0x40: {  	_ =	shalt  }
0x41: {  	_ =	shalt  }
0x42: {  	_ =	shalt  }
0x43: {  	_ =	shalt  }
0x44: {  	_ =	shalt  }
0x45: {  	_ =	shalt  }
0x46: {  	_ =	shalt  }
0x47: {  	_ =	shalt  }
0x48: {  	_ =	shalt  }
0x49: {  	_ =	shalt  }
0x4a: {  	_ =	shalt  }
0x4b: {  	_ =	shalt  }
0x4c: {  	_ =	shalt  }
0x4d: {  	_ =	shalt  }
0x4e: {  	_ =	shalt  }
0x4f: {  	_ =	shalt  }
0x50: {  	_ =	shalt  }
0x51: {  	_ =	shalt  }
0x52: {  	_ =	shalt  }
0x53: {  	_ =	shalt  }
0x54: {  	_ =	shalt  }
0x55: {  	_ =	shalt  }
0x56: {  	_ =	shalt  }
0x57: {  	_ =	shalt  }
0x58: {  	_ =	shalt  }
0x59: {  	_ =	shalt  }
0x5a: {  	_ =	shalt  }
0x5b: {  	_ =	shalt  }
0x5c: {  	_ =	shalt  }
0x5d: {  	_ =	shalt  }
0x5e: {  	_ =	shalt  }
0x5f: {  	_ =	shalt  }
0x60: {  	_ =	shalt  }
0x61: {  	_ =	shalt  }
0x62: {  	_ =	shalt  }
0x63: {  	_ =	shalt  }
0x64: {  	_ =	shalt  }
0x65: {  	_ =	shalt  }
0x66: {  	_ =	shalt  }
0x67: {  	_ =	shalt  }
0x68: {  	_ =	shalt  }
0x69: {  	_ =	shalt  }
0x6a: {  	_ =	shalt  }
0x6b: {  	_ =	shalt  }
0x6c: {  	_ =	shalt  }
0x6d: {  	_ =	shalt  }
0x6e: {  	_ =	shalt  }
0x6f: {  	_ =	shalt  }
0x70: {  	_ =	shalt  }
0x71: {  	_ =	shalt  }
0x72: {  	_ =	shalt  }
0x73: {  	_ =	shalt  }
0x74: {  	_ =	shalt  }
0x75: {  	_ =	shalt  }
0x76: {  	_ =	shalt  }
0x77: {  	_ =	shalt  }
0x78: {  	_ =	shalt  }
0x79: {  	_ =	shalt  }
0x7a: {  	_ =	shalt  }
0x7b: {  	_ =	shalt  }
0x7c: {  	_ =	shalt  }
0x7d: {  	_ =	shalt  }
0x7e: {  	_ =	shalt  }
0x7f: {  	_ =	shalt  }
0x80: {  	_ =	shalt  }
0x81: {  	_ =	shalt  }
0x82: {  	_ =	shalt  }
0x83: {  	_ =	shalt  }
0x84: {  	_ =	shalt  }
0x85: {  	_ =	shalt  }
0x86: {  	_ =	shalt  }
0x87: {  	_ =	shalt  }
.Lfunc_end0:
.L_simem_size_0:
called_computation.2_lowered:
.L_overlay_start_0:
0x88: {  	s2 =	sld [smem:$0x3FD9]  }
0x89: {  	s3 =	sld [smem:$0x3FFE];
	_ =	sdelay $0x1  }
0x8a: {  	s1 =	srdreg.scid  }
0x8b: {  	s0 =	sand.u32 $0x1, s1  }
0x8c: {  	s17 =	sshll.u32 s0, $0xA;
	s2 =	sadd.s32 s3, s2  }
0x8d: {  	s2 =	sadd.s32 s2, s17  }
0x8e: {  	[smem:$0x3FC0] =	sst s2  }
0x8f: {  	_ = 	snop  }
0x90: {  	s2 =	sld [smem:$0x3FD0];
	(tm) =	ssettm $0x1  }
0x91: {  	s18 =	sld [smem:$0x3FFB];
	_ =	sdelay $0x3  }
0x92: {  	_ =	strace s18  }
0x93: {  	s3 =	sld [smem:$0x3FFC];
	_ =	sdelay $0x3  }
0x94: {  	_ =	strace s3  }
0x95: {  	s3 =	sld [smem:$0x3FFD];
	_ =	sdelay $0x3  }
0x96: {  	_ =	strace s3  }
0x97: {  	_ =	strace $0x8FFFFFFF  }
0x98: {  	s19 =	sld [smem:$0x3FDB];
	_ =	sdelay $0x1  }
0x99: {  	s4 =	simm.s32 $_scs_section_size  }
0x9a: {  	s5 =	simm.s32 $_size__tile_overlayer_lowered;
	s6 =	simm.s32 $_tile_overlayer_lowered  }
0x9b: {  	s22 =	simm.s32 $0x1BFF;
	s21 =	sshll.u32 s6, $0x1;
	s3 =	sadd.s32 s4, s19  }
0x9c: {  	s7 =	simm.s32 $0x0;
	s20 =	sshll.u32 s5, $0x1;
	s5 =	sadd.s32 s21, s3  }
0x9d: {  	[timem:s7], [sflag:s22] =	dma.local [hbm:s5], s20  }
0x9e: {  	_ =	swait.ge [sflag:s22], s20  }
0x9f: {  	s4 =	ssub.s32 $0x0, s20;
	[sflag:s22] =	ssyncset.done $0x0  }
0xa0: {  	[sflag:s22] =	ssyncadd.s32 s4;
	_ =	sdelay $0x1  }
0xa1: {  	s23 =	simm.s32 $0x1B8B  }
0xa2: {  	_ =	swait.ge [sflag:s23], $0x1  }
0xa3: {  	[sflag:s23] =	ssyncset.done $0x0  }
0xa4: {  	s25 =	simm.s32 $0x1B8E;
	s24 =	sld [smem:$0x3FFE];
	[sflag:s23] =	ssyncadd.s32 $0xFFFFFFFF  }
0xa5: {  	s26 =	simm.s32 $execute0_lowered;
	[smem:$0x3FD2] =	sst s25  }
0xa6: {  	s5 =	sshll.u32 s26, $0x1;
	_ =	strace $0x8000004C;
	[dreg:$0x1] =	wrdreg $0xFFFFFFFF  }
0xa7: {  	s28 =	simm.s32 $_size_execute0_lowered;
	s3 =	sadd.s32 s3, s5;
	[dreg:$0x0] =	wrdreg $0x0  }
0xa8: {  	s5 =	sshll.u32 s28, $0x1;
	[dreg:$0x2] =	wrdreg s3  }
0xa9: {  	[dreg:$0x3] =	wrdreg s5  }
0xaa: {  	[dreg:$0x4] =	wrdreg $0xC0  }
0xab: {  	_ =	task [dreg:s7], $0x5FFFF  }
0xac: {  	[dreg:$0x1] =	wrdreg $0xFFFFFFFF  }
0xad: {  	[dreg:$0x0] =	wrdreg $0x60  }
0xae: {  	[dreg:$0x2] =	wrdreg s2  }
0xaf: {  	[dreg:$0x3] =	wrdreg s24  }
0xb0: {  	[dreg:$0x4] =	wrdreg $0x70000  }
0xb1: {  	[dreg:$0x5] =	wrdreg $0x9  }
0xb2: {  	_ =	task.clear_ibuf [dreg:s7], $0x6FFFF;
	_ =	strace $0x9000004C  }
0xb3: {  	s29 =	simm.s32 $0x9;
	_ =	strace $0x8000004E  }
0xb4: {  	_ =	swait.ge [sflag:s29], $0x1  }
0xb5: {  	[sflag:s29] =	ssyncadd.s32 $0xFFFFFFFF  }
0xb6: {  	_ =	strace $0x9000004E  }
0xb7: {  	_ =	sfence  }
0xb8: {  	s30 =	sld [smem:$0x0];
	_ =	sdelay $0x2  }
0xb9: {  	s31 =	sshll.u32 s1, $0xD;
	s1 =	sshrl.u32 s1, $0x2  }
0xba: {  	s3 =	sand.u32 $0x4000, s31;
	s1 =	sadd.s32 s1, s30  }
0xbb: {  	s0 =	sor.u32 s3, s0;
	s1 =	sshll.u32 s1, $0x11  }
0xbc: {  	s0 =	sor.u32 s1, s0  }
0xbd: {  	s0 =	sadd.s32 $0x8F2B, s0  }
0xbe: {  	[sflag:s0] =	ssyncadd.remote.s32 $0x1  }
0xbf: {  	_ =	sfence.sel $0xFFFF  }
0xc0: {  	[dreg:$0x0] =	wrdreg $0xFFFFFFFF;
	(pc) =	sbr.abs _section_cstart, $3  }
0xc1: {  	[dreg:$0x1] =	wrdreg $0xFFFFFFFF  }
0xc2: {  	_ =	task.clear_ibuf [dreg:s7], $0x2FFFF;
	_ =	strace $0x9FFFFFFF  }
0xc3: {  	(tm) =	ssettm $0x7FFFFFFF  }
tec
execute0_lowered:
.L_overlay_start_1:
0x0: {  	(tag) =	ssettag $0x1  }
0x1: {  	s8 =	rddreg [dreg:$0x0]  }
0x2: {  	s5 =	rddreg [dreg:$0x1]  }
0x3: {  	s2 =	rddreg [dreg:$0x2]  }
0x4: {  	s0 =	rddreg [dreg:$0x3]  }
0x5: {  	s3 =	simm.s32 $0x0;
	s1 =	stileid.u32;
	s4 =	srdreg.scid  }
0x6: {  	s14 =	simm.s32 $0x2000;
	s15 =	simm.s32 $0x1;
	s16 =	simm.s32 $0x80  }
0x7: {  	s17 =	simm.s32 $0x4800;
	s18 =	simm.s32 $0x2;
	s19 =	simm.s32 $0x3  }
0x8: {  	s20 =	simm.s32 $0x4;
	s21 =	simm.s32 $0x1B80;
	s6 =	smul.u32 $0xA00, s1  }
0x9: {  	s22 =	simm.s32 $0xC00;
	s23 =	simm.s32 $0x1C00;
	s12 =	smul.u32 $0x50000, s1  }
0xa: {  	[smem:$0x7FF] =	sst s3;
	s7 =	sand.u32 $0x1, s4;
	s25 =	smul.u32 $0x2800, s1  }
0xb: {  	s4 =	sadd.s32 $0x73000, s5;
	s30 =	sshll.u32 s1, $0x6;
	s9 =	smul.u32 $0x28000, s7  }
0xc: {  	_ =	strace $0x8000004D;
	s10 =	ssub.s32 $0x2, s7;
	s31 =	smul.u32 $0x27100, s7  }
0xd: {  	s11 =	sadd.s32 s6, s5;
	s28 =	sshrl.u32 s10, $0x1;
	s29 =	sshrl.u32 s12, $0x2  }
0xe: {  	s12 =	simm.s32 $0x1000;
	s9 =	sadd.s32 s9, s5;
	s10 =	ssub.s32 s10, s28  }
0xf: {  	s13 =	sadd.s32 s29, s2;
	s5 =	sor.u32 $0x1C05, s30;
	s6 =	sadd.s32 $0x1AE00, s11  }
0x10: {  	s7 =	sadd.s32 $0x10E00, s11;
	s8 =	sadd.s32 s8, s31;
	s11 =	simm.s32 $0x5  }
0x11: {  	s24 =	sadd.s32 $0x75800, s9;
	s9 =	smax.u32 s10, $0x1;
	s10 =	sshrl.u32 s13, $0x3  }
0x12: {  	s13 =	simm.s32 $0x50;
	s24 =	sadd.s32 s25, s24;
	s25 =	simm.s32 $0x0  }
.LBB2_1:
0x13: {  	[spmem:s10], [sflag:s5] =	dma.local [hbm:s4], $0x2800  }
0x14: {  	_ =	swait.ge [sflag:s11], $0x2800  }
0x15: {  	[sflag:s11] =	ssyncset.done $0x0  }
0x16: {  	[sflag:s11] =	ssyncadd.s32 $0xFFFFD800  }
0x17: {  	s26 =	simm.s32 $0x0;
	[bflag:$0x0] =	sbarrier.arrive $0xFFFF  }
.LBB2_2:
0x18: {  	s28 =	sshll.u32 s26, $0x9  }
0x19: {  	s29 =	sadd.s32 s28, s6  }
0x1a: {  	[tilespmem:s3], [sflag:$0x5] =	stream.linear.gather [hbm4b:s29+s3], $0xC80, $0x38;
	[tilespmem:$0x1B000] =	vst v63  }
0x1b: {  	_ =	swait.ge [sflag:s11], $0xC80  }
0x1c: {  	[sflag:s11] =	ssyncset.done $0x0  }
0x1d: {  	s28 =	sadd.s32 s28, s7;
	[sflag:s11] =	ssyncadd.s32 $0xFFFFF380  }
0x1e: {  	[tilespmem:s12], [sflag:$0x5] =	stream.linear.gather [hbm4b:s28+s3], $0xC80, $0x38;
	[tilespmem:$0x1B000] =	vst v63  }
0x1f: {  	_ =	swait.ge [sflag:s11], $0xC80  }
0x20: {  	[sflag:s11] =	ssyncset.done $0x0  }
0x21: {  	[sflag:s11] =	ssyncadd.s32 $0xFFFFF380  }
0x22: {  	[tilespmem:s14], [sflag:$0x1] =	stream.indirect.gather [hbm4b:s8+s13], $0x80, s3, s13, $0xb8;
	[tilespmem:$0x1B000] =	vst v63  }
0x23: {  	_ =	swait.ge [sflag:s15], $0x2800  }
0x24: {  	[sflag:s15] =	ssyncset.done $0x0  }
0x25: {  	[sflag:s15] =	ssyncadd.s32 $0xFFFFD800  }
0x26: {  	[spmem:s2] =	stream.indirect.scatter.add.f32 [tilespmem:s14], [sflag:$0x3], $0x80, s12, s13, $0xb8;
	[tilespmem:$0x1B000] =	vst v63  }
0x27: {  	_ = 	snop  }
0x28: {  	[tilespmem:s17], [sflag:$0x2] =	stream.indirect.gather [hbm4b:s8+s13], $0x80, s16, s13, $0xb8;
	[tilespmem:$0x1B000] =	vst v63  }
0x29: {  	_ =	swait.ge [sflag:s18], $0x2800  }
0x2a: {  	[sflag:s18] =	ssyncset.done $0x0  }
0x2b: {  	s28 =	simm.s32 $0x1080;
	[sflag:s18] =	ssyncadd.s32 $0xFFFFD800  }
0x2c: {  	[spmem:s2] =	stream.indirect.scatter.add.f32 [tilespmem:s17], [sflag:$0x4], $0x80, s28, s13, $0xb8;
	[tilespmem:$0x1B000] =	vst v63  }
0x2d: {  	_ =	swait.ge [sflag:s19], $0x2800  }
0x2e: {  	[sflag:s19] =	ssyncset.done $0x0  }
0x2f: {  	s28 =	simm.s32 $0x100;
	[sflag:s19] =	ssyncadd.s32 $0xFFFFD800  }
0x30: {  	[tilespmem:s14], [sflag:$0x1] =	stream.indirect.gather [hbm4b:s8+s13], $0x80, s28, s13, $0xb8;
	[tilespmem:$0x1B000] =	vst v63  }
0x31: {  	_ =	swait.ge [sflag:s15], $0x2800  }
0x32: {  	[sflag:s15] =	ssyncset.done $0x0  }
0x33: {  	s28 =	simm.s32 $0x1100;
	[sflag:s15] =	ssyncadd.s32 $0xFFFFD800  }
0x34: {  	[spmem:s2] =	stream.indirect.scatter.add.f32 [tilespmem:s14], [sflag:$0x3], $0x80, s28, s13, $0xb8;
	[tilespmem:$0x1B000] =	vst v63  }
0x35: {  	_ =	swait.ge [sflag:s20], $0x2800  }
0x36: {  	[sflag:s20] =	ssyncset.done $0x0  }
0x37: {  	s29 =	simm.s32 $0x180;
	s28 =	simm.s32 $0xFFFFD800;
	[sflag:s20] =	ssyncadd.s32 $0xFFFFD800  }
.LBB2_3:
0x38: {  	[tilespmem:s17], [sflag:$0x2] =	stream.indirect.gather [hbm4b:s8+s13], $0x80, s29, s13, $0xb8;
	[tilespmem:$0x1B000] =	vst v63  }
0x39: {  	s29 =	smov.u32 s28  }
0x3a: {  	p0 =	sne.s32 s28, $0xFFFFFC00;
	s28 =	sadd.s32 $0x400, s28;
	_ =	swait.ge [sflag:s18], $0x2800  }
0x3b: {  	s29 =	sshra.s32 s29, $0x2;
	[sflag:s18] =	ssyncset.done $0x0  }
0x3c: {  	s30 =	sadd.s32 $0x1B80, s29;
	[sflag:s18] =	ssyncadd.s32 $0xFFFFD800  }
0x3d: {  	[spmem:s2] =	stream.indirect.scatter.add.f32 [tilespmem:s17], [sflag:$0x4], $0x80, s30, s13, $0xb8;
	[tilespmem:$0x1B000] =	vst v63  }
0x3e: {  	_ =	swait.ge [sflag:s19], $0x2800  }
0x3f: {  	[sflag:s19] =	ssyncset.done $0x0  }
0x40: {  	s30 =	sadd.s32 $0xC00, s29;
	[sflag:s19] =	ssyncadd.s32 $0xFFFFD800  }
0x41: {  	[tilespmem:s14], [sflag:$0x1] =	stream.indirect.gather [hbm4b:s8+s13], $0x80, s30, s13, $0xb8;
	[tilespmem:$0x1B000] =	vst v63  }
0x42: {  	_ =	swait.ge [sflag:s15], $0x2800  }
0x43: {  	[sflag:s15] =	ssyncset.done $0x0  }
.Ltmp0:
0x44: {  	s30 =	sadd.s32 $0x1C00, s29;
	[sflag:s15] =	ssyncadd.s32 $0xFFFFD800;
	(pc) =	sbr.rel @p0 .LBB2_3-.Ltmp0, $4  }
0x45: {  	[spmem:s2] =	stream.indirect.scatter.add.f32 [tilespmem:s14], [sflag:$0x3], $0x80, s30, s13, $0xb8;
	[tilespmem:$0x1B000] =	vst v63  }
0x46: {  	_ =	swait.ge [sflag:s20], $0x2800  }
0x47: {  	[sflag:s20] =	ssyncset.done $0x0  }
0x48: {  	s29 =	sadd.s32 $0xC80, s29;
	[sflag:s20] =	ssyncadd.s32 $0xFFFFD800  }
0x49: {  	[tilespmem:s17], [sflag:$0x2] =	stream.indirect.gather [hbm4b:s8+s13], $0x80, s29, s13, $0xb8;
	[tilespmem:$0x1B000] =	vst v63  }
0x4a: {  	_ =	swait.ge [sflag:s18], $0x2800  }
0x4b: {  	[sflag:s18] =	ssyncset.done $0x0  }
0x4c: {  	[sflag:s18] =	ssyncadd.s32 $0xFFFFD800  }
0x4d: {  	[spmem:s2] =	stream.indirect.scatter.add.f32 [tilespmem:s17], [sflag:$0x4], $0x80, s21, s13, $0xb8;
	[tilespmem:$0x1B000] =	vst v63  }
0x4e: {  	_ =	swait.ge [sflag:s19], $0x2800  }
0x4f: {  	[sflag:s19] =	ssyncset.done $0x0  }
0x50: {  	[sflag:s19] =	ssyncadd.s32 $0xFFFFD800  }
0x51: {  	[tilespmem:s14], [sflag:$0x1] =	stream.indirect.gather [hbm4b:s8+s13], $0x80, s22, s13, $0xb8;
	[tilespmem:$0x1B000] =	vst v63  }
0x52: {  	_ =	swait.ge [sflag:s15], $0x2800  }
0x53: {  	[sflag:s15] =	ssyncset.done $0x0  }
0x54: {  	s26 =	sadd.s32 $0x1, s26;
	[sflag:s15] =	ssyncadd.s32 $0xFFFFD800  }
0x55: {  	[spmem:s2] =	stream.indirect.scatter.add.f32 [tilespmem:s14], [sflag:$0x3], $0x80, s23, s13, $0xb8;
	[tilespmem:$0x1B000] =	vst v63  }
0x56: {  	p0 =	sne.s32 s26, $0x5;
	_ =	swait.ge [sflag:s20], $0x2800  }
.Ltmp1:
0x57: {  	[sflag:s20] =	ssyncset.done $0x0;
	(pc) =	sbr.rel @p0 .LBB2_2-.Ltmp1, $4  }
0x58: {  	[sflag:s20] =	ssyncadd.s32 $0xFFFFD800  }
0x59: {  	_ =	swait.ge [sflag:s19], $0x2800  }
0x5a: {  	[sflag:s19] =	ssyncset.done $0x0  }
0x5b: {  	[sflag:s19] =	ssyncadd.s32 $0xFFFFD800  }
0x5c: {  	s25 =	sadd.s32 $0x1, s25  }
0x5d: {  	p0 =	sne.s32 s25, s9  }
.Ltmp2:
0x5e: {  	[bflag:$0x0] =	sbarrier.arrive $0xFFFF;
	(pc) =	sbr.rel @p0 .LBB2_1-.Ltmp2, $4  }
0x5f: {  	[hbm:s24], [sflag:s5] =	dma.local [spmem:s10], $0x2800  }
0x60: {  	_ =	swait.ge [sflag:s11], $0x2800  }
0x61: {  	[sflag:s11] =	ssyncset.done $0x0  }
0x62: {  	[sflag:s11] =	ssyncadd.s32 $0xFFFFD800  }
0x63: {  	_ =	sfence.sel $0x180000  }
0x64: {  	[bflag:$0x0] =	sbarrier.arrive $0xFFFF  }
0x65: {  	p0 =	sne.s32 s1, $0x0;
	_ =	strace $0x9000004D  }
0x66: {  	s0 =	sadd.s32 @!p0 $0x100000, s0;
	[bflag:$0x2] =	sbarrier.arrive $0xFFFF  }
0x67: {  	[sflag:s0] =	ssyncadd.tile.s32 @!p0 $0x1;
	_ =	shalt  }
.Lfunc_end2:
_tile_overlayer_lowered:
.L_overlay_start_2:
0x68: {  	(tag) =	ssettag $0x2  }
0x69: {  	s0 =	rddreg [dreg:$0x0];
	s2 =	stileid.u32  }
0x6a: {  	s1 =	rddreg [dreg:$0x1];
	p0 =	sne.s32 s2, $0x0  }
0x6b: {  	s3 =	rddreg [dreg:$0x2];
	[bflag:$0x3] =	sbarrier.arrive $0xFFFF;
	s2 =	simm.s32 @!p0 $0x1C05  }
0x6c: {  	[timem:s3], [sflag:s2] =	dma.local @!p0 [hbm:s0], s1  }
0x6d: {  	s0 =	simm.s32 @!p0 $0x5  }
0x6e: {  	_ =	swait.ge @!p0 [sflag:s0], s1  }
0x6f: {  	s1 =	ssub.s32 @!p0 $0x0, s1;
	[sflag:s0] =	ssyncset.done @!p0 $0x0  }
0x70: {  	[sflag:s0] =	ssyncadd.s32 @!p0 s1  }
0x71: {  	[bflag:$0x3] =	sbarrier.arrive $0xFFFF  }
0x72: {  	_ =	shalt  }

// kernel: kernel.8.cloned.1.call-start
scs
__scs_entry_jumppad:
0x0: {  	(pc) =	sbr.rel $0x88, $3  }
0x1: {  	(tag) =	ssettag $0x0;
	lr =	simm.s32 $0x1  }
0x2: {  	[smem:$0x3F99] =	sst lr;
	_ =	strace $0xD0000000  }
0x3: {  	_ = 	snop  }
0x4: {  	_ = 	snop  }
0x5: {  	_ = 	snop  }
0x6: {  	_ = 	snop  }
0x7: {  	_ = 	snop  }
__scs_overlays_trampoline_lowered:
0x8: {  	[smem:$0x3FA8] =	sst s0  }
0x9: {  	[smem:$0x3FA9] =	sst s1  }
0xa: {  	[smem:$0x3FAA] =	sst s2  }
0xb: {  	[smem:$0x3FAB] =	sst s3  }
0xc: {  	[smem:$0x3FAC] =	sst s4  }
0xd: {  	[smem:$0x3FAD] =	sst s5  }
0xe: {  	[smem:$0x3FAE] =	sst s6  }
0xf: {  	[smem:$0x3FAF] =	sst s7  }
0x10: {  	[smem:$0x3FB0] =	sst s8  }
0x11: {  	[smem:$0x3FB1] =	sst s9;
	s0 =	simm.s32 @!p0 $0x0  }
0x12: {  	s1 =	sld [smem:$0x3F97];
	s0 =	simm.s32 @p0 $0x1  }
0x13: {  	[smem:$0x3FB2] =	sst s0;
	s0 =	simm.s32 @!p1 $0x0  }
0x14: {  	s2 =	sld [smem:$0x3F96];
	s0 =	simm.s32 @p1 $0x1  }
0x15: {  	[smem:$0x3FB3] =	sst s0;
	s0 =	simm.s32 @!p2 $0x0  }
0x16: {  	s3 =	sld [smem:$0x3FDB];
	s0 =	simm.s32 @p2 $0x1  }
0x17: {  	s4 =	simm.s32 $0x1BF5;
	[smem:$0x3FB5] =	sst s0  }
0x18: {  	s0 =	sld [smem:$0x3F98];
	_ =	swait.ge [sflag:s4], $0x0  }
0x19: {  	s7 =	sld [smem:$0x3F99]  }
0x1a: {  	s8 =	sadd.s32 $0xFFFFE003, lr  }
0x1b: {  	s9 =	sadd.s32 $0xFFFFFEF7, lr;
	s5 =	simm.s32 $0xFFFFFFFF;
	p2 =	slt.u32 s8, $0xFFFFF086  }
0x1c: {  	p1 =	slt.u32 s9, $0xF7A;
	s5 =	simm.s32 @!p2 $0x0  }
0x1d: {  	s5 =	simm.s32 @p1 $0x1;
	p0 =	seq.s32 s7, s2  }
0x1e: {  	s7 =	smul.u32 @!p0 $0xF7A, s2;
	p2 =	seq.s32 @!p0 s5, $0x0  }
0x1f: {  	s9 =	smul.u32 $0xF7A, s1;
	s8 =	simm.s32 @!p0 $0x1BF5;
	p2 =	por !p2, p0  }
0x20: {  	[sflag:s8] =	ssyncset.s32 @!p0 $0xFFFFF086;
	s6 =	sadd.s32 @!p0 s3, s7;
	s7 =	simm.s32 @!p0 $0x108  }
0x21: {  	s3 =	sadd.s32 s3, s9;
	s6 =	sadd.s32 @!p0 $0x88, s6;
	s7 =	simm.s32 @p2 $0x1082  }
0x22: {  	[simem:s7], [sflag:s8] =	dma.local @!p0 [hbm:s6], $0xF7A  }
0x23: {  	s9 =	sor.u32 $0xD0000000, s2;
	s6 =	simm.s32 $0x108;
	_ =	swait.ge @!p0 [sflag:s8], $0x0  }
0x24: {  	s3 =	sadd.s32 $0x88, s3;
	s6 =	simm.s32 @!p1 $0x1082;
	[sflag:s4] =	ssyncset.s32 $0xFFFFF086  }
0x25: {  	[simem:s6], [sflag:s4] =	dma.local [hbm:s3], $0xF7A  }
0x26: {  	[smem:$0x3F99] =	sst s1;
	(tag) =	ssettag s2;
	_ =	strace s9  }
0x27: {  	s1 =	sld [smem:$0x3FA9]  }
0x28: {  	s2 =	sld [smem:$0x3FAA]  }
0x29: {  	s4 =	sld [smem:$0x3FAC]  }
0x2a: {  	p0 =	seq.s32 s5, $0x0;
	s5 =	sld [smem:$0x3FAD]  }
0x2b: {  	s6 =	sld [smem:$0x3FAE]  }
0x2c: {  	s7 =	sld [smem:$0x3FAF]  }
0x2d: {  	s3 =	simm.s32 $0x108;
	s8 =	sld [smem:$0x3FB0]  }
0x2e: {  	s3 =	simm.s32 @!p0 $0x1082;
	s9 =	sld [smem:$0x3FB1]  }
0x2f: {  	lr =	sadd.s32 s0, s3;
	s0 =	sld [smem:$0x3FA8]  }
0x30: {  	s3 =	sld [smem:$0x3FAB]  }
0x31: {  	[smem:$0x3FB4] =	sst s10  }
0x32: {  	s10 =	sld [smem:$0x3FB2];
	_ =	sdelay $0x3  }
0x33: {  	p0 =	seq.s32 s10, $0x1;
	s10 =	sld [smem:$0x3FB4];
	_ =	sdelay $0x3  }
0x34: {  	[smem:$0x3FB4] =	sst s10  }
0x35: {  	s10 =	sld [smem:$0x3FB3];
	_ =	sdelay $0x3  }
0x36: {  	p1 =	seq.s32 s10, $0x1;
	s10 =	sld [smem:$0x3FB4];
	_ =	sdelay $0x3  }
0x37: {  	[smem:$0x3FB4] =	sst s10  }
0x38: {  	s10 =	sld [smem:$0x3FB5]  }
0x39: {  	_ = 	snop;
	(pc) =	sbr.ind lr, $3  }
0x3a: {  	_ = 	snop  }
0x3b: {  	_ = 	snop  }
0x3c: {  	p2 =	seq.s32 s10, $0x1;
	s10 =	sld [smem:$0x3FB4]  }
0x3d: {  	_ =	shalt  }
0x3e: {  	_ =	shalt  }
0x3f: {  	_ =	shalt  }
0x40: {  	_ =	shalt  }
0x41: {  	_ =	shalt  }
0x42: {  	_ =	shalt  }
0x43: {  	_ =	shalt  }
0x44: {  	_ =	shalt  }
0x45: {  	_ =	shalt  }
0x46: {  	_ =	shalt  }
0x47: {  	_ =	shalt  }
0x48: {  	_ =	shalt  }
0x49: {  	_ =	shalt  }
0x4a: {  	_ =	shalt  }
0x4b: {  	_ =	shalt  }
0x4c: {  	_ =	shalt  }
0x4d: {  	_ =	shalt  }
0x4e: {  	_ =	shalt  }
0x4f: {  	_ =	shalt  }
0x50: {  	_ =	shalt  }
0x51: {  	_ =	shalt  }
0x52: {  	_ =	shalt  }
0x53: {  	_ =	shalt  }
0x54: {  	_ =	shalt  }
0x55: {  	_ =	shalt  }
0x56: {  	_ =	shalt  }
0x57: {  	_ =	shalt  }
0x58: {  	_ =	shalt  }
0x59: {  	_ =	shalt  }
0x5a: {  	_ =	shalt  }
0x5b: {  	_ =	shalt  }
0x5c: {  	_ =	shalt  }
0x5d: {  	_ =	shalt  }
0x5e: {  	_ =	shalt  }
0x5f: {  	_ =	shalt  }
0x60: {  	_ =	shalt  }
0x61: {  	_ =	shalt  }
0x62: {  	_ =	shalt  }
0x63: {  	_ =	shalt  }
0x64: {  	_ =	shalt  }
0x65: {  	_ =	shalt  }
0x66: {  	_ =	shalt  }
0x67: {  	_ =	shalt  }
0x68: {  	_ =	shalt  }
0x69: {  	_ =	shalt  }
0x6a: {  	_ =	shalt  }
0x6b: {  	_ =	shalt  }
0x6c: {  	_ =	shalt  }
0x6d: {  	_ =	shalt  }
0x6e: {  	_ =	shalt  }
0x6f: {  	_ =	shalt  }
0x70: {  	_ =	shalt  }
0x71: {  	_ =	shalt  }
0x72: {  	_ =	shalt  }
0x73: {  	_ =	shalt  }
0x74: {  	_ =	shalt  }
0x75: {  	_ =	shalt  }
0x76: {  	_ =	shalt  }
0x77: {  	_ =	shalt  }
0x78: {  	_ =	shalt  }
0x79: {  	_ =	shalt  }
0x7a: {  	_ =	shalt  }
0x7b: {  	_ =	shalt  }
0x7c: {  	_ =	shalt  }
0x7d: {  	_ =	shalt  }
0x7e: {  	_ =	shalt  }
0x7f: {  	_ =	shalt  }
0x80: {  	_ =	shalt  }
0x81: {  	_ =	shalt  }
0x82: {  	_ =	shalt  }
0x83: {  	_ =	shalt  }
0x84: {  	_ =	shalt  }
0x85: {  	_ =	shalt  }
0x86: {  	_ =	shalt  }
0x87: {  	_ =	shalt  }
.Lfunc_end0:
.L_simem_size_0:
called_computation_lowered:
.L_overlay_start_0:
0x88: {  	s2 =	sld [smem:$0x3FD9]  }
0x89: {  	s3 =	sld [smem:$0x3FFE];
	_ =	sdelay $0x1  }
0x8a: {  	s1 =	srdreg.scid  }
0x8b: {  	s0 =	sand.u32 $0x1, s1  }
0x8c: {  	s16 =	sshll.u32 s0, $0xA;
	s2 =	sadd.s32 s3, s2  }
0x8d: {  	s2 =	sadd.s32 s2, s16  }
0x8e: {  	[smem:$0x3FC0] =	sst s2  }
0x8f: {  	_ = 	snop  }
0x90: {  	(tm) =	ssettm $0x1  }
0x91: {  	s17 =	sld [smem:$0x3FFB];
	_ =	sdelay $0x3  }
0x92: {  	_ =	strace s17  }
0x93: {  	s2 =	sld [smem:$0x3FFC];
	_ =	sdelay $0x3  }
0x94: {  	_ =	strace s2  }
0x95: {  	s2 =	sld [smem:$0x3FFD];
	_ =	sdelay $0x3  }
0x96: {  	_ =	strace s2  }
0x97: {  	_ =	strace $0x8FFFFFFF  }
0x98: {  	s18 =	sld [smem:$0x3FDB];
	_ =	sdelay $0x1  }
0x99: {  	s19 =	simm.s32 $_scs_section_size  }
0x9a: {  	s4 =	simm.s32 $_size__tile_overlayer_lowered;
	s5 =	simm.s32 $_tile_overlayer_lowered  }
0x9b: {  	s22 =	simm.s32 $0x1BFF;
	s21 =	sshll.u32 s5, $0x1;
	s2 =	sadd.s32 s19, s18  }
0x9c: {  	s6 =	simm.s32 $0x0;
	s20 =	sshll.u32 s4, $0x1;
	s4 =	sadd.s32 s21, s2  }
0x9d: {  	[timem:s6], [sflag:s22] =	dma.local [hbm:s4], s20  }
0x9e: {  	_ =	swait.ge [sflag:s22], s20  }
0x9f: {  	s3 =	ssub.s32 $0x0, s20;
	[sflag:s22] =	ssyncset.done $0x0  }
0xa0: {  	[sflag:s22] =	ssyncadd.s32 s3;
	_ =	sdelay $0x1  }
0xa1: {  	s23 =	simm.s32 $0x1B8B  }
0xa2: {  	_ =	swait.ge [sflag:s23], $0x1  }
0xa3: {  	[sflag:s23] =	ssyncset.done $0x0  }
0xa4: {  	s25 =	simm.s32 $0x1B8E;
	s24 =	sld [smem:$0x3FFE];
	[sflag:s23] =	ssyncadd.s32 $0xFFFFFFFF  }
0xa5: {  	s26 =	simm.s32 $execute0_lowered;
	[smem:$0x3FD2] =	sst s25  }
0xa6: {  	s4 =	sshll.u32 s26, $0x1;
	_ =	strace $0x80000046;
	[dreg:$0x1] =	wrdreg $0xFFFFFFFF  }
0xa7: {  	s28 =	simm.s32 $_size_execute0_lowered;
	s2 =	sadd.s32 s2, s4;
	[dreg:$0x0] =	wrdreg $0x0  }
0xa8: {  	s4 =	sshll.u32 s28, $0x1;
	[dreg:$0x2] =	wrdreg s2  }
0xa9: {  	[dreg:$0x3] =	wrdreg s4  }
0xaa: {  	[dreg:$0x4] =	wrdreg $0xC0  }
0xab: {  	_ =	task [dreg:s6], $0x5FFFF  }
0xac: {  	[dreg:$0x1] =	wrdreg $0xFFFFFFFF  }
0xad: {  	[dreg:$0x0] =	wrdreg $0x60  }
0xae: {  	[dreg:$0x2] =	wrdreg s24  }
0xaf: {  	[dreg:$0x3] =	wrdreg $0x9  }
0xb0: {  	_ =	task.clear_ibuf [dreg:s6], $0x4FFFF;
	_ =	strace $0x90000046  }
0xb1: {  	s29 =	simm.s32 $0x9;
	_ =	strace $0x80000048  }
0xb2: {  	_ =	swait.ge [sflag:s29], $0x1  }
0xb3: {  	[sflag:s29] =	ssyncadd.s32 $0xFFFFFFFF  }
0xb4: {  	_ =	strace $0x90000048  }
0xb5: {  	_ =	sfence  }
0xb6: {  	s30 =	sld [smem:$0x0];
	_ =	sdelay $0x2  }
0xb7: {  	s31 =	sshll.u32 s1, $0xD;
	s1 =	sshrl.u32 s1, $0x2  }
0xb8: {  	s3 =	sand.u32 $0x4000, s31;
	s1 =	sadd.s32 s1, s30  }
0xb9: {  	s0 =	sor.u32 s3, s0;
	s1 =	sshll.u32 s1, $0x11  }
0xba: {  	s0 =	sor.u32 s1, s0  }
0xbb: {  	s0 =	sadd.s32 $0x8F2B, s0  }
0xbc: {  	[sflag:s0] =	ssyncadd.remote.s32 $0x1  }
0xbd: {  	_ =	sfence.sel $0xFFFF  }
0xbe: {  	[dreg:$0x0] =	wrdreg $0xFFFFFFFF;
	(pc) =	sbr.abs _section_cstart, $3  }
0xbf: {  	[dreg:$0x1] =	wrdreg $0xFFFFFFFF  }
0xc0: {  	_ =	task.clear_ibuf [dreg:s6], $0x2FFFF;
	_ =	strace $0x9FFFFFFF  }
0xc1: {  	(tm) =	ssettm $0x7FFFFFFF  }
tec
execute0_lowered:
.L_overlay_start_1:
0x0: {  	(tag) =	ssettag $0x1  }
0x1: {  	s3 =	rddreg [dreg:$0x0]  }
0x2: {  	s0 =	rddreg [dreg:$0x1]  }
0x3: {  	s1 =	stileid.u32;
	s2 =	simm.s32 $0x0;
	s4 =	srdreg.scid  }
0x4: {  	s9 =	simm.s32 $0x1400;
	s10 =	simm.s32 $0x0;
	s5 =	sshrl.u32 s1, $0x2  }
0x5: {  	s4 =	sand.u32 $0x1, s4;
	s6 =	sshll.u32 s1, $0x8;
	[smem:$0x7FF] =	sst s2  }
0x6: {  	s7 =	smul.u32 $0xA000, s5;
	s8 =	sshll.u32 s4, $0x7;
	s6 =	sand.u32 $0x300, s6  }
0x7: {  	s5 =	smul.u32 $0x14000, s5;
	s4 =	ssub.s32 $0x2, s4;
	s6 =	sor.u32 s8, s6  }
0x8: {  	_ =	strace $0x80000047;
	s30 =	sshrl.u32 s4, $0x1;
	s7 =	sor.u32 s7, s6  }
0x9: {  	s8 =	simm.s32 $0x1;
	s5 =	sor.u32 s5, s6;
	s29 =	sshrl.u32 s7, $0x3  }
0xa: {  	s31 =	ssub.s32 s4, s30;
	s5 =	sshrl.u32 s5, $0x3;
	s6 =	sadd.s32 s29, s3  }
0xb: {  	s7 =	simm.s32 $0x400;
	s5 =	sadd.s32 s5, s3;
	s3 =	sadd.s32 $0x1E00, s6  }
0xc: {  	v0 =	vimm.f32 $0.0e+00;
	v1 =	vimm.f32 $1.000000000e+00;
	s4 =	sadd.s32 $0x6E00, s5;
	s5 =	smax.u32 s31, $0x1;
	s6 =	simm.s32 $0x80  }
.LBB2_1:
0xd: {  	[tilespmem:s2], [sflag:$0x1] =	stream.strided.gather [hbm4b:s3+s6], $0x1400, s7, s6, $0x38;
	[tilespmem:$0x3C00] =	vst v63  }
0xe: {  	_ =	swait.ge [sflag:s8], $0x1400  }
0xf: {  	[sflag:s8] =	ssyncset.done $0x0  }
0x10: {  	s11 =	simm.s32 $0x0;
	[sflag:s8] =	ssyncadd.s32 $0xFFFFEC00  }
.LBB2_2:
0x11: {  	p0 =	sne.s32 s11, $0x9FC0  }
.Ltmp0:
0x12: {  	_ = 	snop;
	(pc) =	sbr.rel @p0 .LBB2_2-.Ltmp0, $3  }
0x13: {  	_ =	sdelay $0x1  }
0x14: {  	s12 =	sshra.s32 s11, $0x2  }
0x15: {  	s11 =	sadd.s32 $0x40, s11;
	[tilespmem:s12+$0x1400] =	vst v0  }
0x16: {  	s12 =	simm.s32 $0x0;
	s11 =	simm.s32 $0x40  }
.LBB2_4:
0x17: {  	p0 =	sne.s32 s11, $0x4E00;
	v2 =	vld [tilespmem:s12+$0x0];
	_ =	sdelay $0x3  }
.Ltmp1:
0x18: {  	(pc) =	sbr.rel @p0 .LBB2_4-.Ltmp1, $2  }
0x19: {  	_ =	sdelay $0x2  }
0x1a: {  	s12 =	sshra.s32 s11, $0x2;
	s11 =	sadd.s32 $0x40, s11;
	[tilespmem:v2+s9+$0x0] =	vst.idx.add.f32.msk $0xffff, v1  }
0x1b: {  	v2 =	vld [tilespmem:s12+$0x0];
	_ =	sdelay $0x5  }
0x1c: {  	s10 =	sadd.s32 $0x1, s10  }
0x1d: {  	p0 =	sne.s32 s10, s5  }
.Ltmp2:
0x1e: {  	[tilespmem:v2+s9+$0x0] =	vst.idx.add.f32.msk $0xffff, v1;
	(pc) =	sbr.rel @p0 .LBB2_1-.Ltmp2, $4  }
0x1f: {  	[hbm4b:s4+s6] =	stream.strided.scatter [tilespmem:s9], [sflag:$0x1], $0x2800, s7, s6, $0x38;
	[tilespmem:$0x3C00] =	vst v63  }
0x20: {  	_ =	swait.ge [sflag:s8], $0x2800  }
0x21: {  	[sflag:s8] =	ssyncset.done $0x0  }
0x22: {  	[sflag:s8] =	ssyncadd.s32 $0xFFFFD800  }
0x23: {  	_ =	sfence.sel $0x180000  }
0x24: {  	[bflag:$0x0] =	sbarrier.arrive $0xFFFF  }
0x25: {  	p0 =	sne.s32 s1, $0x0;
	_ =	strace $0x90000047  }
0x26: {  	s0 =	sadd.s32 @!p0 $0x100000, s0;
	[bflag:$0x2] =	sbarrier.arrive $0xFFFF  }
0x27: {  	[sflag:s0] =	ssyncadd.tile.s32 @!p0 $0x1;
	_ =	shalt  }
.Lfunc_end2:
_tile_overlayer_lowered:
.L_overlay_start_2:
0x28: {  	(tag) =	ssettag $0x2  }
0x29: {  	s0 =	rddreg [dreg:$0x0];
	s2 =	stileid.u32  }
0x2a: {  	s1 =	rddreg [dreg:$0x1];
	p0 =	sne.s32 s2, $0x0  }
0x2b: {  	s3 =	rddreg [dreg:$0x2];
	[bflag:$0x3] =	sbarrier.arrive $0xFFFF;
	s2 =	simm.s32 @!p0 $0x1C01  }
0x2c: {  	[timem:s3], [sflag:s2] =	dma.local @!p0 [hbm:s0], s1  }
0x2d: {  	s0 =	simm.s32 @!p0 $0x1  }
0x2e: {  	_ =	swait.ge @!p0 [sflag:s0], s1  }
0x2f: {  	s1 =	ssub.s32 @!p0 $0x0, s1;
	[sflag:s0] =	ssyncset.done @!p0 $0x0  }
0x30: {  	[sflag:s0] =	ssyncadd.s32 @!p0 s1  }
0x31: {  	[bflag:$0x3] =	sbarrier.arrive $0xFFFF  }
0x32: {  	_ =	shalt  }

</sc_bundles>
